<compile_context>
chip_gen: v7x
topology: tpu7x:2x2x1
jax: 0.10.2.dev20260603
libtpu: 0.0.44.dev20260713+nightly
codegen_flags: <defaults>
</compile_context>

<pallas_src>
import functools

import jax
import jax.numpy as jnp
from jax import lax
from jax.experimental import pallas as pl
from jax.experimental.pallas import tpu as pltpu
from jax.experimental.pallas import tpu_sc as plsc

B = 16384
D = 500
V = 100000
H1 = 64
NC = 2
NS = 16
NW = NC * NS
KMAX = (D + NW - 1) // NW
OC = 4096
NOC = B // OC


@functools.cache
def _make_sc_gather():
    mesh = plsc.VectorSubcoreMesh(core_axis_name="c", subcore_axis_name="s")

    @functools.partial(
        pl.kernel,
        mesh=mesh,
        out_type=(
            jax.ShapeDtypeStruct((D, B), jnp.float32),
            jax.ShapeDtypeStruct((D, B), jnp.float32),
        ),
        scratch_types=[
            pltpu.VMEM((B,), jnp.int32),
            pltpu.VMEM((V,), jnp.float32),
            pltpu.VMEM((2, OC), jnp.float32),
            pltpu.SemaphoreType.DMA,
            pltpu.SemaphoreType.DMA,
            pltpu.SemaphoreType.DMA,
        ],
        compiler_params=pltpu.CompilerParams(needs_layout_passes=False),
    )
    def _sc_gather(uid_hbm, iid_hbm, utabT_hbm, itabT_hbm, uoutT_hbm,
                   ioutT_hbm, idx_v, row_v, out_v, rsem, osem, xsem):
        wid = lax.axis_index("s") * NC + lax.axis_index("c")

        def one_table(idx_hbm, tabT_hbm, outT_hbm):
            pltpu.sync_copy(idx_hbm, idx_v)

            def per_d(k, _):
                d = wid + NW * k

                @pl.when(d < D)
                def _():
                    pltpu.async_copy(tabT_hbm.at[d], row_v, rsem).wait()
                    for c in range(NOC):
                        buf = c % 2
                        if c >= 2:
                            pltpu.make_async_copy(
                                out_v.at[buf], outT_hbm.at[0, pl.ds(0, OC)],
                                osem).wait()

                        @plsc.parallel_loop(0, OC // 16, unroll=32)
                        def _gather16(v):
                            iv = idx_v[pl.ds(c * OC + v * 16, 16)]
                            out_v[buf, pl.ds(v * 16, 16)] = plsc.load_gather(
                                row_v, [iv])
                        pltpu.async_copy(
                            out_v.at[buf], outT_hbm.at[d, pl.ds(c * OC, OC)],
                            osem)
                    pltpu.make_async_copy(
                        out_v.at[0], outT_hbm.at[0, pl.ds(0, OC)], osem).wait()
                    pltpu.make_async_copy(
                        out_v.at[1], outT_hbm.at[0, pl.ds(0, OC)], osem).wait()

                return 0

            lax.fori_loop(0, KMAX, per_d, 0)

        one_table(uid_hbm, utabT_hbm, uoutT_hbm)
        one_table(iid_hbm, itabT_hbm, ioutT_hbm)

    return _sc_gather


def _tc_dense_body(u_ref, i_ref, wu_ref, wi_ref, bu_ref, bi_ref, wp_ref,
                   bp_ref, o_ref):
    dn = (((0,), (0,)), ((), ()))
    u = lax.dot_general(u_ref[...], wu_ref[...], dn,
                        preferred_element_type=jnp.float32)
    u = jnp.maximum(u + bu_ref[...], 0.0)
    i = lax.dot_general(i_ref[...], wi_ref[...], dn,
                        preferred_element_type=jnp.float32)
    i = jnp.maximum(i + bi_ref[...], 0.0)
    r = jnp.dot(u, wp_ref[:H1, :], preferred_element_type=jnp.float32)
    r = r + jnp.dot(i, wp_ref[H1:, :], preferred_element_type=jnp.float32)
    o_ref[...] = r + bp_ref[...]


BB = 2048


def _tc_dense(uT_docs, iT_docs, wu, wi, bu, bi, wp, bp):
    grid = (B // BB,)
    return pl.pallas_call(
        _tc_dense_body,
        grid=grid,
        in_specs=[
            pl.BlockSpec((D, BB), lambda b: (0, b)),
            pl.BlockSpec((D, BB), lambda b: (0, b)),
            pl.BlockSpec((D, H1), lambda b: (0, 0)),
            pl.BlockSpec((D, H1), lambda b: (0, 0)),
            pl.BlockSpec((1, H1), lambda b: (0, 0)),
            pl.BlockSpec((1, H1), lambda b: (0, 0)),
            pl.BlockSpec((2 * H1, 1), lambda b: (0, 0)),
            pl.BlockSpec((1, 1), lambda b: (0, 0)),
        ],
        out_specs=pl.BlockSpec((BB, 1), lambda b: (b, 0)),
        out_shape=jax.ShapeDtypeStruct((B, 1), jnp.float32),
    )(uT_docs, iT_docs, wu, wi, bu, bi, wp, bp)


def kernel(batch_uid, batch_iid, uid_userDoc, iid_itemDoc, userFC_W, userFC_b,
           itemFC_W, itemFC_b, pred_W, pred_b):
    uid = batch_uid.astype(jnp.int32)
    iid = batch_iid.astype(jnp.int32)
    uT_docs, iT_docs = _make_sc_gather()(uid, iid, uid_userDoc.T,
                                         iid_itemDoc.T)
    out = _tc_dense(uT_docs, iT_docs, userFC_W, itemFC_W,
                    userFC_b.reshape(1, H1), itemFC_b.reshape(1, H1),
                    pred_W, pred_b.reshape(1, 1))
    return out

# --- scband reference (transcript-rebuilt; emitter-appended) ---
"""Pipeline reference for scband-voe-12738873000725 (READ-ONLY COPY).

The authoritative reference and input builder live on the scoring server;
editing this copy changes nothing except your own understanding.
"""

import jax, jax.numpy as jnp
import numpy as np

NUM_USERS = 100000
NUM_ITEMS = 100000
MAX_DOC_LEN = 500
H1 = 64
BATCH = 16384


def setup_inputs(seed: int = 0) -> dict:
    key = jax.random.key(seed)
    ks = jax.random.split(key, 10)
    batch_uid = jax.random.randint(ks[0], (BATCH,), 0, NUM_USERS, dtype=jnp.int64 if jax.config.jax_enable_x64 else jnp.int32)
    batch_iid = jax.random.randint(ks[1], (BATCH,), 0, NUM_ITEMS, dtype=jnp.int64 if jax.config.jax_enable_x64 else jnp.int32)
    uid_userDoc = jax.random.normal(ks[2], (NUM_USERS, MAX_DOC_LEN), dtype=jnp.float32) * 0.02
    iid_itemDoc = jax.random.normal(ks[3], (NUM_ITEMS, MAX_DOC_LEN), dtype=jnp.float32) * 0.02
    userFC_W = jax.random.normal(ks[4], (MAX_DOC_LEN, H1), dtype=jnp.float32) * 0.05
    userFC_b = jnp.zeros((H1,), dtype=jnp.float32)
    itemFC_W = jax.random.normal(ks[5], (MAX_DOC_LEN, H1), dtype=jnp.float32) * 0.05
    itemFC_b = jnp.zeros((H1,), dtype=jnp.float32)
    pred_W = jax.random.normal(ks[6], (2 * H1, 1), dtype=jnp.float32) * 0.05
    pred_b = jnp.zeros((1,), dtype=jnp.float32)
    return {
        'batch_uid': batch_uid,
        'batch_iid': batch_iid,
        'uid_userDoc': uid_userDoc,
        'iid_itemDoc': iid_itemDoc,
        'userFC_W': userFC_W,
        'userFC_b': userFC_b,
        'itemFC_W': itemFC_W,
        'itemFC_b': itemFC_b,
        'pred_W': pred_W,
        'pred_b': pred_b,
    }


def reference(batch_uid, batch_iid, uid_userDoc, iid_itemDoc, userFC_W, userFC_b, itemFC_W, itemFC_b, pred_W, pred_b):
    # Embedding lookups (the memory-bound gathers)
    batch_userDoc = jnp.take(uid_userDoc, batch_uid, axis=0)  # [B, max_doc_len]
    batch_itemDoc = jnp.take(iid_itemDoc, batch_iid, axis=0)  # [B, max_doc_len]
    # ANRS_RatingPred: FC + ReLU on each side (dropout = identity in eval), concat, predict
    user_fc = jax.nn.relu(batch_userDoc @ userFC_W + userFC_b)  # [B, h1]
    item_fc = jax.nn.relu(batch_itemDoc @ itemFC_W + itemFC_b)  # [B, h1]
    input_concat = jnp.concatenate([user_fc, item_fc], axis=1)  # [B, 2*h1]
    rating_pred = input_concat @ pred_W + pred_b  # [B, 1]
    return rating_pred

if __name__ == "__main__":
    import jax
    _d = setup_inputs()
    print(jax.jit(kernel)(*tuple(_d.values())))

</pallas_src>

<mosaic_0001>
#map = affine_map<(d0, d1) -> (0)>
#map1 = affine_map<(d0, d1) -> (0, 0)>
module attributes {stable_mosaic.version = 14 : i64} {
  func.func @_sc_gather(%arg0: i32, %arg1: i32, %arg2: memref<16384xi32, #tpu.memory_space<hbm>>, %arg3: memref<16384xi32, #tpu.memory_space<hbm>>, %arg4: memref<500x100000xf32, #tpu.memory_space<hbm>>, %arg5: memref<500x100000xf32, #tpu.memory_space<hbm>>, %arg6: memref<500x16384xf32, #tpu.memory_space<hbm>>, %arg7: memref<500x16384xf32, #tpu.memory_space<hbm>>, %arg8: memref<16384xi32, #tpu.memory_space<vmem>>, %arg9: memref<100000xf32, #tpu.memory_space<vmem>>, %arg10: memref<2x4096xf32, #tpu.memory_space<vmem>>, %arg11: memref<!tpu.dma_semaphore, #tpu.memory_space<semaphore_mem>>, %arg12: memref<!tpu.dma_semaphore, #tpu.memory_space<semaphore_mem>>, %arg13: memref<!tpu.dma_semaphore, #tpu.memory_space<semaphore_mem>>) attributes {dimension_semantics = [#tpu.dimension_semantics<core_parallel>, #tpu.dimension_semantics<subcore_parallel>], iteration_bounds = array<i64: 2, 16>, scalar_prefetch = 0 : i64, scratch_operands = 6 : i64, tpu.core_type = #tpu.core_type<sc_vector_subcore>, window_params = [{transform_indices = #map}, {transform_indices = #map}, {transform_indices = #map1}, {transform_indices = #map1}, {transform_indices = #map1}, {transform_indices = #map1}]} {
    %mul3A = arith.constant 2 : i32
    %mul3A_0 = arith.muli %arg1, %mul3A : i32
    %add3A = arith.addi %mul3A_0, %arg0 : i32
    "tpu.region"() ({
      %run_scoped3A = tpu.sem_alloc : memref<!tpu.dma_semaphore, #tpu.memory_space<semaphore_mem>>
      tpu.enqueue_dma source(%arg2 : memref<16384xi32, #tpu.memory_space<hbm>>) target(%arg8 : memref<16384xi32, #tpu.memory_space<vmem>>) target_semaphore(%run_scoped3A : memref<!tpu.dma_semaphore, #tpu.memory_space<semaphore_mem>>)
      tpu.wait_dma2 semaphore(%run_scoped3A : memref<!tpu.dma_semaphore, #tpu.memory_space<semaphore_mem>>) src(%arg2 : memref<16384xi32, #tpu.memory_space<hbm>>) dst(%arg8 : memref<16384xi32, #tpu.memory_space<vmem>>)
      tpu.yield
    }) : () -> ()
    %scan3A = arith.constant 0 : i32
    %scan3A_1 = arith.constant 0 : i32
    %scan3A_2 = arith.constant 16 : i32
    %scan3A_3 = arith.addi %scan3A_1, %scan3A_2 : i32
    %scan3A_4 = arith.constant 1 : i32
    %scan3A_5 = scf.for %scan3A_14 = %scan3A_1 to %scan3A_3 step %scan3A_4 iter_args(%scan3A_15 = %scan3A) -> (i32)  : i32 {
      %mul3A_16 = arith.constant 32 : i32
      %mul3A_17 = arith.muli %mul3A_16, %scan3A_14 : i32
      %add3A_18 = arith.addi %add3A, %mul3A_17 : i32
      %lt3A = arith.constant 500 : i32
      %lt3A_19 = arith.cmpi slt, %add3A_18, %lt3A : i32
      %convert_element_type3A = arith.extui %lt3A_19 : i1 to i32
      %cond3A = arith.constant 0 : i32
      %cond3A_20 = arith.cmpi ne, %convert_element_type3A, %cond3A : i32
      scf.if %cond3A_20 {
        %dma_start3A = arith.constant 0 : i32
        %dma_start3A_22 = tpu.memref_slice %arg4[%add3A_18, %dma_start3A] : memref<500x100000xf32, #tpu.memory_space<hbm>> -> memref<1x100000xf32, #tpu.memory_space<hbm>>
        %dma_start3A_23 = tpu.memref_squeeze %dma_start3A_22 : memref<1x100000xf32, #tpu.memory_space<hbm>> -> memref<100000xf32, #tpu.memory_space<hbm>>
        %dma_start3A_24 = arith.constant 0 : i32
        %dma_start3A_25 = tpu.memref_slice %arg4[%add3A_18, %dma_start3A_24] : memref<500x100000xf32, #tpu.memory_space<hbm>> -> memref<1x100000xf32, #tpu.memory_space<hbm>>
        %dma_start3A_26 = tpu.memref_squeeze %dma_start3A_25 : memref<1x100000xf32, #tpu.memory_space<hbm>> -> memref<100000xf32, #tpu.memory_space<hbm>>
        tpu.enqueue_dma source(%dma_start3A_26 : memref<100000xf32, #tpu.memory_space<hbm>>) target(%arg9 : memref<100000xf32, #tpu.memory_space<vmem>>) target_semaphore(%arg11 : memref<!tpu.dma_semaphore, #tpu.memory_space<semaphore_mem>>)
        %dma_wait3A = arith.constant 0 : i32
        %dma_wait3A_27 = tpu.memref_slice %arg4[%add3A_18, %dma_wait3A] : memref<500x100000xf32, #tpu.memory_space<hbm>> -> memref<1x100000xf32, #tpu.memory_space<hbm>>
        %dma_wait3A_28 = tpu.memref_squeeze %dma_wait3A_27 : memref<1x100000xf32, #tpu.memory_space<hbm>> -> memref<100000xf32, #tpu.memory_space<hbm>>
        %dma_wait3A_29 = arith.constant 0 : i32
        %dma_wait3A_30 = tpu.memref_slice %arg4[%add3A_18, %dma_wait3A_29] : memref<500x100000xf32, #tpu.memory_space<hbm>> -> memref<1x100000xf32, #tpu.memory_space<hbm>>
        %dma_wait3A_31 = tpu.memref_squeeze %dma_wait3A_30 : memref<1x100000xf32, #tpu.memory_space<hbm>> -> memref<100000xf32, #tpu.memory_space<hbm>>
        tpu.wait_dma2 semaphore(%arg11 : memref<!tpu.dma_semaphore, #tpu.memory_space<semaphore_mem>>) src(%dma_wait3A_31 : memref<100000xf32, #tpu.memory_space<hbm>>) dst(%arg9 : memref<100000xf32, #tpu.memory_space<vmem>>)
        %parallel_loop3A = arith.constant 0 : i32
        %parallel_loop3A_32 = arith.constant 256 : i32
        %parallel_loop3A_33 = arith.constant 1 : i32
        scf.for %parallel_loop3A_151 = %parallel_loop3A to %parallel_loop3A_32 step %parallel_loop3A_33  : i32 {
          %parallel_loop3A_152 = arith.constant 16 : i32
          %parallel_loop3A_153 = arith.muli %parallel_loop3A_151, %parallel_loop3A_152 : i32
          %parallel_loop3A_154 = arith.constant 0 : i32
          %parallel_loop3A_155 = arith.addi %parallel_loop3A_154, %parallel_loop3A_153 : i32
          %parallel_loop3A_156 = arith.index_cast %parallel_loop3A_155 : i32 to index
          %parallel_loop3A_157 = tpu.vector_load %arg8[%parallel_loop3A_156] {strides = array<i32>} : memref<16384xi32, #tpu.memory_space<vmem>>, vector<16xi32>,
          %parallel_loop3A_158 = tpu.vector_load_idx %arg9[%parallel_loop3A_157] : memref<100000xf32, #tpu.memory_space<vmem>>[vector<16xi32>], vector<16xf32>,
          %parallel_loop3A_159 = arith.constant 16 : i32
          %parallel_loop3A_160 = arith.muli %parallel_loop3A_151, %parallel_loop3A_159 : i32
          %parallel_loop3A_161 = arith.constant 0 : i32
          %parallel_loop3A_162 = arith.index_cast %parallel_loop3A_161 : i32 to index
          %parallel_loop3A_163 = arith.index_cast %parallel_loop3A_160 : i32 to index
          %parallel_loop3A_164 = tpu.vector_load %arg10[%parallel_loop3A_162, %parallel_loop3A_163] {strides = array<i32>} : memref<2x4096xf32, #tpu.memory_space<vmem>>, vector<16xf32>,
          tpu.vector_store %arg10[%parallel_loop3A_162, %parallel_loop3A_163], %parallel_loop3A_158 {strides = array<i32>} : memref<2x4096xf32, #tpu.memory_space<vmem>>, vector<16xf32>,
        } {sc.loop_unroll_factor = 32 : i64, sc.parallel_access}
        %dma_start3A_34 = arith.constant 0 : i32
        %dma_start3A_35 = arith.constant 0 : i32
        %dma_start3A_36 = tpu.memref_slice %arg10[%dma_start3A_34, %dma_start3A_35] : memref<2x4096xf32, #tpu.memory_space<vmem>> -> memref<1x4096xf32, #tpu.memory_space<vmem>>
        %dma_start3A_37 = tpu.memref_squeeze %dma_start3A_36 : memref<1x4096xf32, #tpu.memory_space<vmem>> -> memref<4096xf32, #tpu.memory_space<vmem>>
        %dma_start3A_38 = arith.constant 0 : i32
        %dma_start3A_39 = tpu.memref_slice %arg6[%add3A_18, %dma_start3A_38] : memref<500x16384xf32, #tpu.memory_space<hbm>> -> memref<1x4096xf32, #tpu.memory_space<hbm>>
        %dma_start3A_40 = tpu.memref_squeeze %dma_start3A_39 : memref<1x4096xf32, #tpu.memory_space<hbm>> -> memref<4096xf32, #tpu.memory_space<hbm>>
        %dma_start3A_41 = arith.constant 0 : i32
        %dma_start3A_42 = tpu.memref_slice %arg6[%add3A_18, %dma_start3A_41] : memref<500x16384xf32, #tpu.memory_space<hbm>> -> memref<1x4096xf32, #tpu.memory_space<hbm>>
        %dma_start3A_43 = tpu.memref_squeeze %dma_start3A_42 : memref<1x4096xf32, #tpu.memory_space<hbm>> -> memref<4096xf32, #tpu.memory_space<hbm>>
        %dma_start3A_44 = arith.constant 0 : i32
        %dma_start3A_45 = tpu.memref_slice %arg10[%dma_start3A_34, %dma_start3A_44] : memref<2x4096xf32, #tpu.memory_space<vmem>> -> memref<1x4096xf32, #tpu.memory_space<vmem>>
        %dma_start3A_46 = tpu.memref_squeeze %dma_start3A_45 : memref<1x4096xf32, #tpu.memory_space<vmem>> -> memref<4096xf32, #tpu.memory_space<vmem>>
        tpu.enqueue_dma source(%dma_start3A_46 : memref<4096xf32, #tpu.memory_space<vmem>>) target(%dma_start3A_43 : memref<4096xf32, #tpu.memory_space<hbm>>) target_semaphore(%arg12 : memref<!tpu.dma_semaphore, #tpu.memory_space<semaphore_mem>>)
        %parallel_loop3A_47 = arith.constant 0 : i32
        %parallel_loop3A_48 = arith.constant 256 : i32
        %parallel_loop3A_49 = arith.constant 1 : i32
        scf.for %parallel_loop3A_151 = %parallel_loop3A_47 to %parallel_loop3A_48 step %parallel_loop3A_49  : i32 {
          %parallel_loop3A_152 = arith.constant 16 : i32
          %parallel_loop3A_153 = arith.muli %parallel_loop3A_151, %parallel_loop3A_152 : i32
          %parallel_loop3A_154 = arith.constant 4096 : i32
          %parallel_loop3A_155 = arith.addi %parallel_loop3A_154, %parallel_loop3A_153 : i32
          %parallel_loop3A_156 = arith.index_cast %parallel_loop3A_155 : i32 to index
          %parallel_loop3A_157 = tpu.vector_load %arg8[%parallel_loop3A_156] {strides = array<i32>} : memref<16384xi32, #tpu.memory_space<vmem>>, vector<16xi32>,
          %parallel_loop3A_158 = tpu.vector_load_idx %arg9[%parallel_loop3A_157] : memref<100000xf32, #tpu.memory_space<vmem>>[vector<16xi32>], vector<16xf32>,
          %parallel_loop3A_159 = arith.constant 16 : i32
          %parallel_loop3A_160 = arith.muli %parallel_loop3A_151, %parallel_loop3A_159 : i32
          %parallel_loop3A_161 = arith.constant 1 : i32
          %parallel_loop3A_162 = arith.index_cast %parallel_loop3A_161 : i32 to index
          %parallel_loop3A_163 = arith.index_cast %parallel_loop3A_160 : i32 to index
          %parallel_loop3A_164 = tpu.vector_load %arg10[%parallel_loop3A_162, %parallel_loop3A_163] {strides = array<i32>} : memref<2x4096xf32, #tpu.memory_space<vmem>>, vector<16xf32>,
          tpu.vector_store %arg10[%parallel_loop3A_162, %parallel_loop3A_163], %parallel_loop3A_158 {strides = array<i32>} : memref<2x4096xf32, #tpu.memory_space<vmem>>, vector<16xf32>,
        } {sc.loop_unroll_factor = 32 : i64, sc.parallel_access}
        %dma_start3A_50 = arith.constant 1 : i32
        %dma_start3A_51 = arith.constant 0 : i32
        %dma_start3A_52 = tpu.memref_slice %arg10[%dma_start3A_50, %dma_start3A_51] : memref<2x4096xf32, #tpu.memory_space<vmem>> -> memref<1x4096xf32, #tpu.memory_space<vmem>>
        %dma_start3A_53 = tpu.memref_squeeze %dma_start3A_52 : memref<1x4096xf32, #tpu.memory_space<vmem>> -> memref<4096xf32, #tpu.memory_space<vmem>>
        %dma_start3A_54 = arith.constant 4096 : i32
        %dma_start3A_55 = tpu.memref_slice %arg6[%add3A_18, %dma_start3A_54] : memref<500x16384xf32, #tpu.memory_space<hbm>> -> memref<1x4096xf32, #tpu.memory_space<hbm>>
        %dma_start3A_56 = tpu.memref_squeeze %dma_start3A_55 : memref<1x4096xf32, #tpu.memory_space<hbm>> -> memref<4096xf32, #tpu.memory_space<hbm>>
        %dma_start3A_57 = arith.constant 4096 : i32
        %dma_start3A_58 = tpu.memref_slice %arg6[%add3A_18, %dma_start3A_57] : memref<500x16384xf32, #tpu.memory_space<hbm>> -> memref<1x4096xf32, #tpu.memory_space<hbm>>
        %dma_start3A_59 = tpu.memref_squeeze %dma_start3A_58 : memref<1x4096xf32, #tpu.memory_space<hbm>> -> memref<4096xf32, #tpu.memory_space<hbm>>
        %dma_start3A_60 = arith.constant 0 : i32
        %dma_start3A_61 = tpu.memref_slice %arg10[%dma_start3A_50, %dma_start3A_60] : memref<2x4096xf32, #tpu.memory_space<vmem>> -> memref<1x4096xf32, #tpu.memory_space<vmem>>
        %dma_start3A_62 = tpu.memref_squeeze %dma_start3A_61 : memref<1x4096xf32, #tpu.memory_space<vmem>> -> memref<4096xf32, #tpu.memory_space<vmem>>
        tpu.enqueue_dma source(%dma_start3A_62 : memref<4096xf32, #tpu.memory_space<vmem>>) target(%dma_start3A_59 : memref<4096xf32, #tpu.memory_space<hbm>>) target_semaphore(%arg12 : memref<!tpu.dma_semaphore, #tpu.memory_space<semaphore_mem>>)
        %dma_wait3A_63 = arith.constant 0 : i32
        %dma_wait3A_64 = arith.constant 0 : i32
        %dma_wait3A_65 = arith.constant 0 : i32
        %dma_wait3A_66 = tpu.memref_slice %arg10[%dma_wait3A_63, %dma_wait3A_65] : memref<2x4096xf32, #tpu.memory_space<vmem>> -> memref<1x4096xf32, #tpu.memory_space<vmem>>
        %dma_wait3A_67 = tpu.memref_squeeze %dma_wait3A_66 : memref<1x4096xf32, #tpu.memory_space<vmem>> -> memref<4096xf32, #tpu.memory_space<vmem>>
        %dma_wait3A_68 = arith.constant 0 : i32
        %dma_wait3A_69 = tpu.memref_slice %arg6[%dma_wait3A_64, %dma_wait3A_68] : memref<500x16384xf32, #tpu.memory_space<hbm>> -> memref<1x4096xf32, #tpu.memory_space<hbm>>
        %dma_wait3A_70 = tpu.memref_squeeze %dma_wait3A_69 : memref<1x4096xf32, #tpu.memory_space<hbm>> -> memref<4096xf32, #tpu.memory_space<hbm>>
        %dma_wait3A_71 = arith.constant 0 : i32
        %dma_wait3A_72 = tpu.memref_slice %arg6[%dma_wait3A_64, %dma_wait3A_71] : memref<500x16384xf32, #tpu.memory_space<hbm>> -> memref<1x4096xf32, #tpu.memory_space<hbm>>
        %dma_wait3A_73 = tpu.memref_squeeze %dma_wait3A_72 : memref<1x4096xf32, #tpu.memory_space<hbm>> -> memref<4096xf32, #tpu.memory_space<hbm>>
        %dma_wait3A_74 = arith.constant 0 : i32
        %dma_wait3A_75 = tpu.memref_slice %arg10[%dma_wait3A_63, %dma_wait3A_74] : memref<2x4096xf32, #tpu.memory_space<vmem>> -> memref<1x4096xf32, #tpu.memory_space<vmem>>
        %dma_wait3A_76 = tpu.memref_squeeze %dma_wait3A_75 : memref<1x4096xf32, #tpu.memory_space<vmem>> -> memref<4096xf32, #tpu.memory_space<vmem>>
        tpu.wait_dma2 semaphore(%arg12 : memref<!tpu.dma_semaphore, #tpu.memory_space<semaphore_mem>>) src(%dma_wait3A_76 : memref<4096xf32, #tpu.memory_space<vmem>>) dst(%dma_wait3A_73 : memref<4096xf32, #tpu.memory_space<hbm>>)
        %parallel_loop3A_77 = arith.constant 0 : i32
        %parallel_loop3A_78 = arith.constant 256 : i32
        %parallel_loop3A_79 = arith.constant 1 : i32
        scf.for %parallel_loop3A_151 = %parallel_loop3A_77 to %parallel_loop3A_78 step %parallel_loop3A_79  : i32 {
          %parallel_loop3A_152 = arith.constant 16 : i32
          %parallel_loop3A_153 = arith.muli %parallel_loop3A_151, %parallel_loop3A_152 : i32
          %parallel_loop3A_154 = arith.constant 8192 : i32
          %parallel_loop3A_155 = arith.addi %parallel_loop3A_154, %parallel_loop3A_153 : i32
          %parallel_loop3A_156 = arith.index_cast %parallel_loop3A_155 : i32 to index
          %parallel_loop3A_157 = tpu.vector_load %arg8[%parallel_loop3A_156] {strides = array<i32>} : memref<16384xi32, #tpu.memory_space<vmem>>, vector<16xi32>,
          %parallel_loop3A_158 = tpu.vector_load_idx %arg9[%parallel_loop3A_157] : memref<100000xf32, #tpu.memory_space<vmem>>[vector<16xi32>], vector<16xf32>,
          %parallel_loop3A_159 = arith.constant 16 : i32
          %parallel_loop3A_160 = arith.muli %parallel_loop3A_151, %parallel_loop3A_159 : i32
          %parallel_loop3A_161 = arith.constant 0 : i32
          %parallel_loop3A_162 = arith.index_cast %parallel_loop3A_161 : i32 to index
          %parallel_loop3A_163 = arith.index_cast %parallel_loop3A_160 : i32 to index
          %parallel_loop3A_164 = tpu.vector_load %arg10[%parallel_loop3A_162, %parallel_loop3A_163] {strides = array<i32>} : memref<2x4096xf32, #tpu.memory_space<vmem>>, vector<16xf32>,
          tpu.vector_store %arg10[%parallel_loop3A_162, %parallel_loop3A_163], %parallel_loop3A_158 {strides = array<i32>} : memref<2x4096xf32, #tpu.memory_space<vmem>>, vector<16xf32>,
        } {sc.loop_unroll_factor = 32 : i64, sc.parallel_access}
        %dma_start3A_80 = arith.constant 0 : i32
        %dma_start3A_81 = arith.constant 0 : i32
        %dma_start3A_82 = tpu.memref_slice %arg10[%dma_start3A_80, %dma_start3A_81] : memref<2x4096xf32, #tpu.memory_space<vmem>> -> memref<1x4096xf32, #tpu.memory_space<vmem>>
        %dma_start3A_83 = tpu.memref_squeeze %dma_start3A_82 : memref<1x4096xf32, #tpu.memory_space<vmem>> -> memref<4096xf32, #tpu.memory_space<vmem>>
        %dma_start3A_84 = arith.constant 8192 : i32
        %dma_start3A_85 = tpu.memref_slice %arg6[%add3A_18, %dma_start3A_84] : memref<500x16384xf32, #tpu.memory_space<hbm>> -> memref<1x4096xf32, #tpu.memory_space<hbm>>
        %dma_start3A_86 = tpu.memref_squeeze %dma_start3A_85 : memref<1x4096xf32, #tpu.memory_space<hbm>> -> memref<4096xf32, #tpu.memory_space<hbm>>
        %dma_start3A_87 = arith.constant 8192 : i32
        %dma_start3A_88 = tpu.memref_slice %arg6[%add3A_18, %dma_start3A_87] : memref<500x16384xf32, #tpu.memory_space<hbm>> -> memref<1x4096xf32, #tpu.memory_space<hbm>>
        %dma_start3A_89 = tpu.memref_squeeze %dma_start3A_88 : memref<1x4096xf32, #tpu.memory_space<hbm>> -> memref<4096xf32, #tpu.memory_space<hbm>>
        %dma_start3A_90 = arith.constant 0 : i32
        %dma_start3A_91 = tpu.memref_slice %arg10[%dma_start3A_80, %dma_start3A_90] : memref<2x4096xf32, #tpu.memory_space<vmem>> -> memref<1x4096xf32, #tpu.memory_space<vmem>>
        %dma_start3A_92 = tpu.memref_squeeze %dma_start3A_91 : memref<1x4096xf32, #tpu.memory_space<vmem>> -> memref<4096xf32, #tpu.memory_space<vmem>>
        tpu.enqueue_dma source(%dma_start3A_92 : memref<4096xf32, #tpu.memory_space<vmem>>) target(%dma_start3A_89 : memref<4096xf32, #tpu.memory_space<hbm>>) target_semaphore(%arg12 : memref<!tpu.dma_semaphore, #tpu.memory_space<semaphore_mem>>)
        %dma_wait3A_93 = arith.constant 1 : i32
        %dma_wait3A_94 = arith.constant 0 : i32
        %dma_wait3A_95 = arith.constant 0 : i32
        %dma_wait3A_96 = tpu.memref_slice %arg10[%dma_wait3A_93, %dma_wait3A_95] : memref<2x4096xf32, #tpu.memory_space<vmem>> -> memref<1x4096xf32, #tpu.memory_space<vmem>>
        %dma_wait3A_97 = tpu.memref_squeeze %dma_wait3A_96 : memref<1x4096xf32, #tpu.memory_space<vmem>> -> memref<4096xf32, #tpu.memory_space<vmem>>
        %dma_wait3A_98 = arith.constant 0 : i32
        %dma_wait3A_99 = tpu.memref_slice %arg6[%dma_wait3A_94, %dma_wait3A_98] : memref<500x16384xf32, #tpu.memory_space<hbm>> -> memref<1x4096xf32, #tpu.memory_space<hbm>>
        %dma_wait3A_100 = tpu.memref_squeeze %dma_wait3A_99 : memref<1x4096xf32, #tpu.memory_space<hbm>> -> memref<4096xf32, #tpu.memory_space<hbm>>
        %dma_wait3A_101 = arith.constant 0 : i32
        %dma_wait3A_102 = tpu.memref_slice %arg6[%dma_wait3A_94, %dma_wait3A_101] : memref<500x16384xf32, #tpu.memory_space<hbm>> -> memref<1x4096xf32, #tpu.memory_space<hbm>>
        %dma_wait3A_103 = tpu.memref_squeeze %dma_wait3A_102 : memref<1x4096xf32, #tpu.memory_space<hbm>> -> memref<4096xf32, #tpu.memory_space<hbm>>
        %dma_wait3A_104 = arith.constant 0 : i32
        %dma_wait3A_105 = tpu.memref_slice %arg10[%dma_wait3A_93, %dma_wait3A_104] : memref<2x4096xf32, #tpu.memory_space<vmem>> -> memref<1x4096xf32, #tpu.memory_space<vmem>>
        %dma_wait3A_106 = tpu.memref_squeeze %dma_wait3A_105 : memref<1x4096xf32, #tpu.memory_space<vmem>> -> memref<4096xf32, #tpu.memory_space<vmem>>
        tpu.wait_dma2 semaphore(%arg12 : memref<!tpu.dma_semaphore, #tpu.memory_space<semaphore_mem>>) src(%dma_wait3A_106 : memref<4096xf32, #tpu.memory_space<vmem>>) dst(%dma_wait3A_103 : memref<4096xf32, #tpu.memory_space<hbm>>)
        %parallel_loop3A_107 = arith.constant 0 : i32
        %parallel_loop3A_108 = arith.constant 256 : i32
        %parallel_loop3A_109 = arith.constant 1 : i32
        scf.for %parallel_loop3A_151 = %parallel_loop3A_107 to %parallel_loop3A_108 step %parallel_loop3A_109  : i32 {
          %parallel_loop3A_152 = arith.constant 16 : i32
          %parallel_loop3A_153 = arith.muli %parallel_loop3A_151, %parallel_loop3A_152 : i32
          %parallel_loop3A_154 = arith.constant 12288 : i32
          %parallel_loop3A_155 = arith.addi %parallel_loop3A_154, %parallel_loop3A_153 : i32
          %parallel_loop3A_156 = arith.index_cast %parallel_loop3A_155 : i32 to index
          %parallel_loop3A_157 = tpu.vector_load %arg8[%parallel_loop3A_156] {strides = array<i32>} : memref<16384xi32, #tpu.memory_space<vmem>>, vector<16xi32>,
          %parallel_loop3A_158 = tpu.vector_load_idx %arg9[%parallel_loop3A_157] : memref<100000xf32, #tpu.memory_space<vmem>>[vector<16xi32>], vector<16xf32>,
          %parallel_loop3A_159 = arith.constant 16 : i32
          %parallel_loop3A_160 = arith.muli %parallel_loop3A_151, %parallel_loop3A_159 : i32
          %parallel_loop3A_161 = arith.constant 1 : i32
          %parallel_loop3A_162 = arith.index_cast %parallel_loop3A_161 : i32 to index
          %parallel_loop3A_163 = arith.index_cast %parallel_loop3A_160 : i32 to index
          %parallel_loop3A_164 = tpu.vector_load %arg10[%parallel_loop3A_162, %parallel_loop3A_163] {strides = array<i32>} : memref<2x4096xf32, #tpu.memory_space<vmem>>, vector<16xf32>,
          tpu.vector_store %arg10[%parallel_loop3A_162, %parallel_loop3A_163], %parallel_loop3A_158 {strides = array<i32>} : memref<2x4096xf32, #tpu.memory_space<vmem>>, vector<16xf32>,
        } {sc.loop_unroll_factor = 32 : i64, sc.parallel_access}
        %dma_start3A_110 = arith.constant 1 : i32
        %dma_start3A_111 = arith.constant 0 : i32
        %dma_start3A_112 = tpu.memref_slice %arg10[%dma_start3A_110, %dma_start3A_111] : memref<2x4096xf32, #tpu.memory_space<vmem>> -> memref<1x4096xf32, #tpu.memory_space<vmem>>
        %dma_start3A_113 = tpu.memref_squeeze %dma_start3A_112 : memref<1x4096xf32, #tpu.memory_space<vmem>> -> memref<4096xf32, #tpu.memory_space<vmem>>
        %dma_start3A_114 = arith.constant 12288 : i32
        %dma_start3A_115 = tpu.memref_slice %arg6[%add3A_18, %dma_start3A_114] : memref<500x16384xf32, #tpu.memory_space<hbm>> -> memref<1x4096xf32, #tpu.memory_space<hbm>>
        %dma_start3A_116 = tpu.memref_squeeze %dma_start3A_115 : memref<1x4096xf32, #tpu.memory_space<hbm>> -> memref<4096xf32, #tpu.memory_space<hbm>>
        %dma_start3A_117 = arith.constant 12288 : i32
        %dma_start3A_118 = tpu.memref_slice %arg6[%add3A_18, %dma_start3A_117] : memref<500x16384xf32, #tpu.memory_space<hbm>> -> memref<1x4096xf32, #tpu.memory_space<hbm>>
        %dma_start3A_119 = tpu.memref_squeeze %dma_start3A_118 : memref<1x4096xf32, #tpu.memory_space<hbm>> -> memref<4096xf32, #tpu.memory_space<hbm>>
        %dma_start3A_120 = arith.constant 0 : i32
        %dma_start3A_121 = tpu.memref_slice %arg10[%dma_start3A_110, %dma_start3A_120] : memref<2x4096xf32, #tpu.memory_space<vmem>> -> memref<1x4096xf32, #tpu.memory_space<vmem>>
        %dma_start3A_122 = tpu.memref_squeeze %dma_start3A_121 : memref<1x4096xf32, #tpu.memory_space<vmem>> -> memref<4096xf32, #tpu.memory_space<vmem>>
        tpu.enqueue_dma source(%dma_start3A_122 : memref<4096xf32, #tpu.memory_space<vmem>>) target(%dma_start3A_119 : memref<4096xf32, #tpu.memory_space<hbm>>) target_semaphore(%arg12 : memref<!tpu.dma_semaphore, #tpu.memory_space<semaphore_mem>>)
        %dma_wait3A_123 = arith.constant 0 : i32
        %dma_wait3A_124 = arith.constant 0 : i32
        %dma_wait3A_125 = arith.constant 0 : i32
        %dma_wait3A_126 = tpu.memref_slice %arg10[%dma_wait3A_123, %dma_wait3A_125] : memref<2x4096xf32, #tpu.memory_space<vmem>> -> memref<1x4096xf32, #tpu.memory_space<vmem>>
        %dma_wait3A_127 = tpu.memref_squeeze %dma_wait3A_126 : memref<1x4096xf32, #tpu.memory_space<vmem>> -> memref<4096xf32, #tpu.memory_space<vmem>>
        %dma_wait3A_128 = arith.constant 0 : i32
        %dma_wait3A_129 = tpu.memref_slice %arg6[%dma_wait3A_124, %dma_wait3A_128] : memref<500x16384xf32, #tpu.memory_space<hbm>> -> memref<1x4096xf32, #tpu.memory_space<hbm>>
        %dma_wait3A_130 = tpu.memref_squeeze %dma_wait3A_129 : memref<1x4096xf32, #tpu.memory_space<hbm>> -> memref<4096xf32, #tpu.memory_space<hbm>>
        %dma_wait3A_131 = arith.constant 0 : i32
        %dma_wait3A_132 = tpu.memref_slice %arg6[%dma_wait3A_124, %dma_wait3A_131] : memref<500x16384xf32, #tpu.memory_space<hbm>> -> memref<1x4096xf32, #tpu.memory_space<hbm>>
        %dma_wait3A_133 = tpu.memref_squeeze %dma_wait3A_132 : memref<1x4096xf32, #tpu.memory_space<hbm>> -> memref<4096xf32, #tpu.memory_space<hbm>>
        %dma_wait3A_134 = arith.constant 0 : i32
        %dma_wait3A_135 = tpu.memref_slice %arg10[%dma_wait3A_123, %dma_wait3A_134] : memref<2x4096xf32, #tpu.memory_space<vmem>> -> memref<1x4096xf32, #tpu.memory_space<vmem>>
        %dma_wait3A_136 = tpu.memref_squeeze %dma_wait3A_135 : memref<1x4096xf32, #tpu.memory_space<vmem>> -> memref<4096xf32, #tpu.memory_space<vmem>>
        tpu.wait_dma2 semaphore(%arg12 : memref<!tpu.dma_semaphore, #tpu.memory_space<semaphore_mem>>) src(%dma_wait3A_136 : memref<4096xf32, #tpu.memory_space<vmem>>) dst(%dma_wait3A_133 : memref<4096xf32, #tpu.memory_space<hbm>>)
        %dma_wait3A_137 = arith.constant 1 : i32
        %dma_wait3A_138 = arith.constant 0 : i32
        %dma_wait3A_139 = arith.constant 0 : i32
        %dma_wait3A_140 = tpu.memref_slice %arg10[%dma_wait3A_137, %dma_wait3A_139] : memref<2x4096xf32, #tpu.memory_space<vmem>> -> memref<1x4096xf32, #tpu.memory_space<vmem>>
        %dma_wait3A_141 = tpu.memref_squeeze %dma_wait3A_140 : memref<1x4096xf32, #tpu.memory_space<vmem>> -> memref<4096xf32, #tpu.memory_space<vmem>>
        %dma_wait3A_142 = arith.constant 0 : i32
        %dma_wait3A_143 = tpu.memref_slice %arg6[%dma_wait3A_138, %dma_wait3A_142] : memref<500x16384xf32, #tpu.memory_space<hbm>> -> memref<1x4096xf32, #tpu.memory_space<hbm>>
        %dma_wait3A_144 = tpu.memref_squeeze %dma_wait3A_143 : memref<1x4096xf32, #tpu.memory_space<hbm>> -> memref<4096xf32, #tpu.memory_space<hbm>>
        %dma_wait3A_145 = arith.constant 0 : i32
        %dma_wait3A_146 = tpu.memref_slice %arg6[%dma_wait3A_138, %dma_wait3A_145] : memref<500x16384xf32, #tpu.memory_space<hbm>> -> memref<1x4096xf32, #tpu.memory_space<hbm>>
        %dma_wait3A_147 = tpu.memref_squeeze %dma_wait3A_146 : memref<1x4096xf32, #tpu.memory_space<hbm>> -> memref<4096xf32, #tpu.memory_space<hbm>>
        %dma_wait3A_148 = arith.constant 0 : i32
        %dma_wait3A_149 = tpu.memref_slice %arg10[%dma_wait3A_137, %dma_wait3A_148] : memref<2x4096xf32, #tpu.memory_space<vmem>> -> memref<1x4096xf32, #tpu.memory_space<vmem>>
        %dma_wait3A_150 = tpu.memref_squeeze %dma_wait3A_149 : memref<1x4096xf32, #tpu.memory_space<vmem>> -> memref<4096xf32, #tpu.memory_space<vmem>>
        tpu.wait_dma2 semaphore(%arg12 : memref<!tpu.dma_semaphore, #tpu.memory_space<semaphore_mem>>) src(%dma_wait3A_150 : memref<4096xf32, #tpu.memory_space<vmem>>) dst(%dma_wait3A_147 : memref<4096xf32, #tpu.memory_space<hbm>>)
      } else {
      }
      %scan3A_21 = arith.constant 0 : i32
      scf.yield %scan3A_21 : i32
    }
    %scan3A_6 = arith.constant 16 : i32
    "tpu.region"() ({
      %run_scoped3A = tpu.sem_alloc : memref<!tpu.dma_semaphore, #tpu.memory_space<semaphore_mem>>
      tpu.enqueue_dma source(%arg3 : memref<16384xi32, #tpu.memory_space<hbm>>) target(%arg8 : memref<16384xi32, #tpu.memory_space<vmem>>) target_semaphore(%run_scoped3A : memref<!tpu.dma_semaphore, #tpu.memory_space<semaphore_mem>>)
      tpu.wait_dma2 semaphore(%run_scoped3A : memref<!tpu.dma_semaphore, #tpu.memory_space<semaphore_mem>>) src(%arg3 : memref<16384xi32, #tpu.memory_space<hbm>>) dst(%arg8 : memref<16384xi32, #tpu.memory_space<vmem>>)
      tpu.yield
    }) : () -> ()
    %scan3A_7 = arith.constant 0 : i32
    %scan3A_8 = arith.constant 0 : i32
    %scan3A_9 = arith.constant 16 : i32
    %scan3A_10 = arith.addi %scan3A_8, %scan3A_9 : i32
    %scan3A_11 = arith.constant 1 : i32
    %scan3A_12 = scf.for %scan3A_14 = %scan3A_8 to %scan3A_10 step %scan3A_11 iter_args(%scan3A_15 = %scan3A_7) -> (i32)  : i32 {
      %mul3A_16 = arith.constant 32 : i32
      %mul3A_17 = arith.muli %mul3A_16, %scan3A_14 : i32
      %add3A_18 = arith.addi %add3A, %mul3A_17 : i32
      %lt3A = arith.constant 500 : i32
      %lt3A_19 = arith.cmpi slt, %add3A_18, %lt3A : i32
      %convert_element_type3A = arith.extui %lt3A_19 : i1 to i32
      %cond3A = arith.constant 0 : i32
      %cond3A_20 = arith.cmpi ne, %convert_element_type3A, %cond3A : i32
      scf.if %cond3A_20 {
        %dma_start3A = arith.constant 0 : i32
        %dma_start3A_22 = tpu.memref_slice %arg5[%add3A_18, %dma_start3A] : memref<500x100000xf32, #tpu.memory_space<hbm>> -> memref<1x100000xf32, #tpu.memory_space<hbm>>
        %dma_start3A_23 = tpu.memref_squeeze %dma_start3A_22 : memref<1x100000xf32, #tpu.memory_space<hbm>> -> memref<100000xf32, #tpu.memory_space<hbm>>
        %dma_start3A_24 = arith.constant 0 : i32
        %dma_start3A_25 = tpu.memref_slice %arg5[%add3A_18, %dma_start3A_24] : memref<500x100000xf32, #tpu.memory_space<hbm>> -> memref<1x100000xf32, #tpu.memory_space<hbm>>
        %dma_start3A_26 = tpu.memref_squeeze %dma_start3A_25 : memref<1x100000xf32, #tpu.memory_space<hbm>> -> memref<100000xf32, #tpu.memory_space<hbm>>
        tpu.enqueue_dma source(%dma_start3A_26 : memref<100000xf32, #tpu.memory_space<hbm>>) target(%arg9 : memref<100000xf32, #tpu.memory_space<vmem>>) target_semaphore(%arg11 : memref<!tpu.dma_semaphore, #tpu.memory_space<semaphore_mem>>)
        %dma_wait3A = arith.constant 0 : i32
        %dma_wait3A_27 = tpu.memref_slice %arg5[%add3A_18, %dma_wait3A] : memref<500x100000xf32, #tpu.memory_space<hbm>> -> memref<1x100000xf32, #tpu.memory_space<hbm>>
        %dma_wait3A_28 = tpu.memref_squeeze %dma_wait3A_27 : memref<1x100000xf32, #tpu.memory_space<hbm>> -> memref<100000xf32, #tpu.memory_space<hbm>>
        %dma_wait3A_29 = arith.constant 0 : i32
        %dma_wait3A_30 = tpu.memref_slice %arg5[%add3A_18, %dma_wait3A_29] : memref<500x100000xf32, #tpu.memory_space<hbm>> -> memref<1x100000xf32, #tpu.memory_space<hbm>>
        %dma_wait3A_31 = tpu.memref_squeeze %dma_wait3A_30 : memref<1x100000xf32, #tpu.memory_space<hbm>> -> memref<100000xf32, #tpu.memory_space<hbm>>
        tpu.wait_dma2 semaphore(%arg11 : memref<!tpu.dma_semaphore, #tpu.memory_space<semaphore_mem>>) src(%dma_wait3A_31 : memref<100000xf32, #tpu.memory_space<hbm>>) dst(%arg9 : memref<100000xf32, #tpu.memory_space<vmem>>)
        %parallel_loop3A = arith.constant 0 : i32
        %parallel_loop3A_32 = arith.constant 256 : i32
        %parallel_loop3A_33 = arith.constant 1 : i32
        scf.for %parallel_loop3A_151 = %parallel_loop3A to %parallel_loop3A_32 step %parallel_loop3A_33  : i32 {
          %parallel_loop3A_152 = arith.constant 16 : i32
          %parallel_loop3A_153 = arith.muli %parallel_loop3A_151, %parallel_loop3A_152 : i32
          %parallel_loop3A_154 = arith.constant 0 : i32
          %parallel_loop3A_155 = arith.addi %parallel_loop3A_154, %parallel_loop3A_153 : i32
          %parallel_loop3A_156 = arith.index_cast %parallel_loop3A_155 : i32 to index
          %parallel_loop3A_157 = tpu.vector_load %arg8[%parallel_loop3A_156] {strides = array<i32>} : memref<16384xi32, #tpu.memory_space<vmem>>, vector<16xi32>,
          %parallel_loop3A_158 = tpu.vector_load_idx %arg9[%parallel_loop3A_157] : memref<100000xf32, #tpu.memory_space<vmem>>[vector<16xi32>], vector<16xf32>,
          %parallel_loop3A_159 = arith.constant 16 : i32
          %parallel_loop3A_160 = arith.muli %parallel_loop3A_151, %parallel_loop3A_159 : i32
          %parallel_loop3A_161 = arith.constant 0 : i32
          %parallel_loop3A_162 = arith.index_cast %parallel_loop3A_161 : i32 to index
          %parallel_loop3A_163 = arith.index_cast %parallel_loop3A_160 : i32 to index
          %parallel_loop3A_164 = tpu.vector_load %arg10[%parallel_loop3A_162, %parallel_loop3A_163] {strides = array<i32>} : memref<2x4096xf32, #tpu.memory_space<vmem>>, vector<16xf32>,
          tpu.vector_store %arg10[%parallel_loop3A_162, %parallel_loop3A_163], %parallel_loop3A_158 {strides = array<i32>} : memref<2x4096xf32, #tpu.memory_space<vmem>>, vector<16xf32>,
        } {sc.loop_unroll_factor = 32 : i64, sc.parallel_access}
        %dma_start3A_34 = arith.constant 0 : i32
        %dma_start3A_35 = arith.constant 0 : i32
        %dma_start3A_36 = tpu.memref_slice %arg10[%dma_start3A_34, %dma_start3A_35] : memref<2x4096xf32, #tpu.memory_space<vmem>> -> memref<1x4096xf32, #tpu.memory_space<vmem>>
        %dma_start3A_37 = tpu.memref_squeeze %dma_start3A_36 : memref<1x4096xf32, #tpu.memory_space<vmem>> -> memref<4096xf32, #tpu.memory_space<vmem>>
        %dma_start3A_38 = arith.constant 0 : i32
        %dma_start3A_39 = tpu.memref_slice %arg7[%add3A_18, %dma_start3A_38] : memref<500x16384xf32, #tpu.memory_space<hbm>> -> memref<1x4096xf32, #tpu.memory_space<hbm>>
        %dma_start3A_40 = tpu.memref_squeeze %dma_start3A_39 : memref<1x4096xf32, #tpu.memory_space<hbm>> -> memref<4096xf32, #tpu.memory_space<hbm>>
        %dma_start3A_41 = arith.constant 0 : i32
        %dma_start3A_42 = tpu.memref_slice %arg7[%add3A_18, %dma_start3A_41] : memref<500x16384xf32, #tpu.memory_space<hbm>> -> memref<1x4096xf32, #tpu.memory_space<hbm>>
        %dma_start3A_43 = tpu.memref_squeeze %dma_start3A_42 : memref<1x4096xf32, #tpu.memory_space<hbm>> -> memref<4096xf32, #tpu.memory_space<hbm>>
        %dma_start3A_44 = arith.constant 0 : i32
        %dma_start3A_45 = tpu.memref_slice %arg10[%dma_start3A_34, %dma_start3A_44] : memref<2x4096xf32, #tpu.memory_space<vmem>> -> memref<1x4096xf32, #tpu.memory_space<vmem>>
        %dma_start3A_46 = tpu.memref_squeeze %dma_start3A_45 : memref<1x4096xf32, #tpu.memory_space<vmem>> -> memref<4096xf32, #tpu.memory_space<vmem>>
        tpu.enqueue_dma source(%dma_start3A_46 : memref<4096xf32, #tpu.memory_space<vmem>>) target(%dma_start3A_43 : memref<4096xf32, #tpu.memory_space<hbm>>) target_semaphore(%arg12 : memref<!tpu.dma_semaphore, #tpu.memory_space<semaphore_mem>>)
        %parallel_loop3A_47 = arith.constant 0 : i32
        %parallel_loop3A_48 = arith.constant 256 : i32
        %parallel_loop3A_49 = arith.constant 1 : i32
        scf.for %parallel_loop3A_151 = %parallel_loop3A_47 to %parallel_loop3A_48 step %parallel_loop3A_49  : i32 {
          %parallel_loop3A_152 = arith.constant 16 : i32
          %parallel_loop3A_153 = arith.muli %parallel_loop3A_151, %parallel_loop3A_152 : i32
          %parallel_loop3A_154 = arith.constant 4096 : i32
          %parallel_loop3A_155 = arith.addi %parallel_loop3A_154, %parallel_loop3A_153 : i32
          %parallel_loop3A_156 = arith.index_cast %parallel_loop3A_155 : i32 to index
          %parallel_loop3A_157 = tpu.vector_load %arg8[%parallel_loop3A_156] {strides = array<i32>} : memref<16384xi32, #tpu.memory_space<vmem>>, vector<16xi32>,
          %parallel_loop3A_158 = tpu.vector_load_idx %arg9[%parallel_loop3A_157] : memref<100000xf32, #tpu.memory_space<vmem>>[vector<16xi32>], vector<16xf32>,
          %parallel_loop3A_159 = arith.constant 16 : i32
          %parallel_loop3A_160 = arith.muli %parallel_loop3A_151, %parallel_loop3A_159 : i32
          %parallel_loop3A_161 = arith.constant 1 : i32
          %parallel_loop3A_162 = arith.index_cast %parallel_loop3A_161 : i32 to index
          %parallel_loop3A_163 = arith.index_cast %parallel_loop3A_160 : i32 to index
          %parallel_loop3A_164 = tpu.vector_load %arg10[%parallel_loop3A_162, %parallel_loop3A_163] {strides = array<i32>} : memref<2x4096xf32, #tpu.memory_space<vmem>>, vector<16xf32>,
          tpu.vector_store %arg10[%parallel_loop3A_162, %parallel_loop3A_163], %parallel_loop3A_158 {strides = array<i32>} : memref<2x4096xf32, #tpu.memory_space<vmem>>, vector<16xf32>,
        } {sc.loop_unroll_factor = 32 : i64, sc.parallel_access}
        %dma_start3A_50 = arith.constant 1 : i32
        %dma_start3A_51 = arith.constant 0 : i32
        %dma_start3A_52 = tpu.memref_slice %arg10[%dma_start3A_50, %dma_start3A_51] : memref<2x4096xf32, #tpu.memory_space<vmem>> -> memref<1x4096xf32, #tpu.memory_space<vmem>>
        %dma_start3A_53 = tpu.memref_squeeze %dma_start3A_52 : memref<1x4096xf32, #tpu.memory_space<vmem>> -> memref<4096xf32, #tpu.memory_space<vmem>>
        %dma_start3A_54 = arith.constant 4096 : i32
        %dma_start3A_55 = tpu.memref_slice %arg7[%add3A_18, %dma_start3A_54] : memref<500x16384xf32, #tpu.memory_space<hbm>> -> memref<1x4096xf32, #tpu.memory_space<hbm>>
        %dma_start3A_56 = tpu.memref_squeeze %dma_start3A_55 : memref<1x4096xf32, #tpu.memory_space<hbm>> -> memref<4096xf32, #tpu.memory_space<hbm>>
        %dma_start3A_57 = arith.constant 4096 : i32
        %dma_start3A_58 = tpu.memref_slice %arg7[%add3A_18, %dma_start3A_57] : memref<500x16384xf32, #tpu.memory_space<hbm>> -> memref<1x4096xf32, #tpu.memory_space<hbm>>
        %dma_start3A_59 = tpu.memref_squeeze %dma_start3A_58 : memref<1x4096xf32, #tpu.memory_space<hbm>> -> memref<4096xf32, #tpu.memory_space<hbm>>
        %dma_start3A_60 = arith.constant 0 : i32
        %dma_start3A_61 = tpu.memref_slice %arg10[%dma_start3A_50, %dma_start3A_60] : memref<2x4096xf32, #tpu.memory_space<vmem>> -> memref<1x4096xf32, #tpu.memory_space<vmem>>
        %dma_start3A_62 = tpu.memref_squeeze %dma_start3A_61 : memref<1x4096xf32, #tpu.memory_space<vmem>> -> memref<4096xf32, #tpu.memory_space<vmem>>
        tpu.enqueue_dma source(%dma_start3A_62 : memref<4096xf32, #tpu.memory_space<vmem>>) target(%dma_start3A_59 : memref<4096xf32, #tpu.memory_space<hbm>>) target_semaphore(%arg12 : memref<!tpu.dma_semaphore, #tpu.memory_space<semaphore_mem>>)
        %dma_wait3A_63 = arith.constant 0 : i32
        %dma_wait3A_64 = arith.constant 0 : i32
        %dma_wait3A_65 = arith.constant 0 : i32
        %dma_wait3A_66 = tpu.memref_slice %arg10[%dma_wait3A_63, %dma_wait3A_65] : memref<2x4096xf32, #tpu.memory_space<vmem>> -> memref<1x4096xf32, #tpu.memory_space<vmem>>
        %dma_wait3A_67 = tpu.memref_squeeze %dma_wait3A_66 : memref<1x4096xf32, #tpu.memory_space<vmem>> -> memref<4096xf32, #tpu.memory_space<vmem>>
        %dma_wait3A_68 = arith.constant 0 : i32
        %dma_wait3A_69 = tpu.memref_slice %arg7[%dma_wait3A_64, %dma_wait3A_68] : memref<500x16384xf32, #tpu.memory_space<hbm>> -> memref<1x4096xf32, #tpu.memory_space<hbm>>
        %dma_wait3A_70 = tpu.memref_squeeze %dma_wait3A_69 : memref<1x4096xf32, #tpu.memory_space<hbm>> -> memref<4096xf32, #tpu.memory_space<hbm>>
        %dma_wait3A_71 = arith.constant 0 : i32
        %dma_wait3A_72 = tpu.memref_slice %arg7[%dma_wait3A_64, %dma_wait3A_71] : memref<500x16384xf32, #tpu.memory_space<hbm>> -> memref<1x4096xf32, #tpu.memory_space<hbm>>
        %dma_wait3A_73 = tpu.memref_squeeze %dma_wait3A_72 : memref<1x4096xf32, #tpu.memory_space<hbm>> -> memref<4096xf32, #tpu.memory_space<hbm>>
        %dma_wait3A_74 = arith.constant 0 : i32
        %dma_wait3A_75 = tpu.memref_slice %arg10[%dma_wait3A_63, %dma_wait3A_74] : memref<2x4096xf32, #tpu.memory_space<vmem>> -> memref<1x4096xf32, #tpu.memory_space<vmem>>
        %dma_wait3A_76 = tpu.memref_squeeze %dma_wait3A_75 : memref<1x4096xf32, #tpu.memory_space<vmem>> -> memref<4096xf32, #tpu.memory_space<vmem>>
        tpu.wait_dma2 semaphore(%arg12 : memref<!tpu.dma_semaphore, #tpu.memory_space<semaphore_mem>>) src(%dma_wait3A_76 : memref<4096xf32, #tpu.memory_space<vmem>>) dst(%dma_wait3A_73 : memref<4096xf32, #tpu.memory_space<hbm>>)
        %parallel_loop3A_77 = arith.constant 0 : i32
        %parallel_loop3A_78 = arith.constant 256 : i32
        %parallel_loop3A_79 = arith.constant 1 : i32
        scf.for %parallel_loop3A_151 = %parallel_loop3A_77 to %parallel_loop3A_78 step %parallel_loop3A_79  : i32 {
          %parallel_loop3A_152 = arith.constant 16 : i32
          %parallel_loop3A_153 = arith.muli %parallel_loop3A_151, %parallel_loop3A_152 : i32
          %parallel_loop3A_154 = arith.constant 8192 : i32
          %parallel_loop3A_155 = arith.addi %parallel_loop3A_154, %parallel_loop3A_153 : i32
          %parallel_loop3A_156 = arith.index_cast %parallel_loop3A_155 : i32 to index
          %parallel_loop3A_157 = tpu.vector_load %arg8[%parallel_loop3A_156] {strides = array<i32>} : memref<16384xi32, #tpu.memory_space<vmem>>, vector<16xi32>,
          %parallel_loop3A_158 = tpu.vector_load_idx %arg9[%parallel_loop3A_157] : memref<100000xf32, #tpu.memory_space<vmem>>[vector<16xi32>], vector<16xf32>,
          %parallel_loop3A_159 = arith.constant 16 : i32
          %parallel_loop3A_160 = arith.muli %parallel_loop3A_151, %parallel_loop3A_159 : i32
          %parallel_loop3A_161 = arith.constant 0 : i32
          %parallel_loop3A_162 = arith.index_cast %parallel_loop3A_161 : i32 to index
          %parallel_loop3A_163 = arith.index_cast %parallel_loop3A_160 : i32 to index
          %parallel_loop3A_164 = tpu.vector_load %arg10[%parallel_loop3A_162, %parallel_loop3A_163] {strides = array<i32>} : memref<2x4096xf32, #tpu.memory_space<vmem>>, vector<16xf32>,
          tpu.vector_store %arg10[%parallel_loop3A_162, %parallel_loop3A_163], %parallel_loop3A_158 {strides = array<i32>} : memref<2x4096xf32, #tpu.memory_space<vmem>>, vector<16xf32>,
        } {sc.loop_unroll_factor = 32 : i64, sc.parallel_access}
        %dma_start3A_80 = arith.constant 0 : i32
        %dma_start3A_81 = arith.constant 0 : i32
        %dma_start3A_82 = tpu.memref_slice %arg10[%dma_start3A_80, %dma_start3A_81] : memref<2x4096xf32, #tpu.memory_space<vmem>> -> memref<1x4096xf32, #tpu.memory_space<vmem>>
        %dma_start3A_83 = tpu.memref_squeeze %dma_start3A_82 : memref<1x4096xf32, #tpu.memory_space<vmem>> -> memref<4096xf32, #tpu.memory_space<vmem>>
        %dma_start3A_84 = arith.constant 8192 : i32
        %dma_start3A_85 = tpu.memref_slice %arg7[%add3A_18, %dma_start3A_84] : memref<500x16384xf32, #tpu.memory_space<hbm>> -> memref<1x4096xf32, #tpu.memory_space<hbm>>
        %dma_start3A_86 = tpu.memref_squeeze %dma_start3A_85 : memref<1x4096xf32, #tpu.memory_space<hbm>> -> memref<4096xf32, #tpu.memory_space<hbm>>
        %dma_start3A_87 = arith.constant 8192 : i32
        %dma_start3A_88 = tpu.memref_slice %arg7[%add3A_18, %dma_start3A_87] : memref<500x16384xf32, #tpu.memory_space<hbm>> -> memref<1x4096xf32, #tpu.memory_space<hbm>>
        %dma_start3A_89 = tpu.memref_squeeze %dma_start3A_88 : memref<1x4096xf32, #tpu.memory_space<hbm>> -> memref<4096xf32, #tpu.memory_space<hbm>>
        %dma_start3A_90 = arith.constant 0 : i32
        %dma_start3A_91 = tpu.memref_slice %arg10[%dma_start3A_80, %dma_start3A_90] : memref<2x4096xf32, #tpu.memory_space<vmem>> -> memref<1x4096xf32, #tpu.memory_space<vmem>>
        %dma_start3A_92 = tpu.memref_squeeze %dma_start3A_91 : memref<1x4096xf32, #tpu.memory_space<vmem>> -> memref<4096xf32, #tpu.memory_space<vmem>>
        tpu.enqueue_dma source(%dma_start3A_92 : memref<4096xf32, #tpu.memory_space<vmem>>) target(%dma_start3A_89 : memref<4096xf32, #tpu.memory_space<hbm>>) target_semaphore(%arg12 : memref<!tpu.dma_semaphore, #tpu.memory_space<semaphore_mem>>)
        %dma_wait3A_93 = arith.constant 1 : i32
        %dma_wait3A_94 = arith.constant 0 : i32
        %dma_wait3A_95 = arith.constant 0 : i32
        %dma_wait3A_96 = tpu.memref_slice %arg10[%dma_wait3A_93, %dma_wait3A_95] : memref<2x4096xf32, #tpu.memory_space<vmem>> -> memref<1x4096xf32, #tpu.memory_space<vmem>>
        %dma_wait3A_97 = tpu.memref_squeeze %dma_wait3A_96 : memref<1x4096xf32, #tpu.memory_space<vmem>> -> memref<4096xf32, #tpu.memory_space<vmem>>
        %dma_wait3A_98 = arith.constant 0 : i32
        %dma_wait3A_99 = tpu.memref_slice %arg7[%dma_wait3A_94, %dma_wait3A_98] : memref<500x16384xf32, #tpu.memory_space<hbm>> -> memref<1x4096xf32, #tpu.memory_space<hbm>>
        %dma_wait3A_100 = tpu.memref_squeeze %dma_wait3A_99 : memref<1x4096xf32, #tpu.memory_space<hbm>> -> memref<4096xf32, #tpu.memory_space<hbm>>
        %dma_wait3A_101 = arith.constant 0 : i32
        %dma_wait3A_102 = tpu.memref_slice %arg7[%dma_wait3A_94, %dma_wait3A_101] : memref<500x16384xf32, #tpu.memory_space<hbm>> -> memref<1x4096xf32, #tpu.memory_space<hbm>>
        %dma_wait3A_103 = tpu.memref_squeeze %dma_wait3A_102 : memref<1x4096xf32, #tpu.memory_space<hbm>> -> memref<4096xf32, #tpu.memory_space<hbm>>
        %dma_wait3A_104 = arith.constant 0 : i32
        %dma_wait3A_105 = tpu.memref_slice %arg10[%dma_wait3A_93, %dma_wait3A_104] : memref<2x4096xf32, #tpu.memory_space<vmem>> -> memref<1x4096xf32, #tpu.memory_space<vmem>>
        %dma_wait3A_106 = tpu.memref_squeeze %dma_wait3A_105 : memref<1x4096xf32, #tpu.memory_space<vmem>> -> memref<4096xf32, #tpu.memory_space<vmem>>
        tpu.wait_dma2 semaphore(%arg12 : memref<!tpu.dma_semaphore, #tpu.memory_space<semaphore_mem>>) src(%dma_wait3A_106 : memref<4096xf32, #tpu.memory_space<vmem>>) dst(%dma_wait3A_103 : memref<4096xf32, #tpu.memory_space<hbm>>)
        %parallel_loop3A_107 = arith.constant 0 : i32
        %parallel_loop3A_108 = arith.constant 256 : i32
        %parallel_loop3A_109 = arith.constant 1 : i32
        scf.for %parallel_loop3A_151 = %parallel_loop3A_107 to %parallel_loop3A_108 step %parallel_loop3A_109  : i32 {
          %parallel_loop3A_152 = arith.constant 16 : i32
          %parallel_loop3A_153 = arith.muli %parallel_loop3A_151, %parallel_loop3A_152 : i32
          %parallel_loop3A_154 = arith.constant 12288 : i32
          %parallel_loop3A_155 = arith.addi %parallel_loop3A_154, %parallel_loop3A_153 : i32
          %parallel_loop3A_156 = arith.index_cast %parallel_loop3A_155 : i32 to index
          %parallel_loop3A_157 = tpu.vector_load %arg8[%parallel_loop3A_156] {strides = array<i32>} : memref<16384xi32, #tpu.memory_space<vmem>>, vector<16xi32>,
          %parallel_loop3A_158 = tpu.vector_load_idx %arg9[%parallel_loop3A_157] : memref<100000xf32, #tpu.memory_space<vmem>>[vector<16xi32>], vector<16xf32>,
          %parallel_loop3A_159 = arith.constant 16 : i32
          %parallel_loop3A_160 = arith.muli %parallel_loop3A_151, %parallel_loop3A_159 : i32
          %parallel_loop3A_161 = arith.constant 1 : i32
          %parallel_loop3A_162 = arith.index_cast %parallel_loop3A_161 : i32 to index
          %parallel_loop3A_163 = arith.index_cast %parallel_loop3A_160 : i32 to index
          %parallel_loop3A_164 = tpu.vector_load %arg10[%parallel_loop3A_162, %parallel_loop3A_163] {strides = array<i32>} : memref<2x4096xf32, #tpu.memory_space<vmem>>, vector<16xf32>,
          tpu.vector_store %arg10[%parallel_loop3A_162, %parallel_loop3A_163], %parallel_loop3A_158 {strides = array<i32>} : memref<2x4096xf32, #tpu.memory_space<vmem>>, vector<16xf32>,
        } {sc.loop_unroll_factor = 32 : i64, sc.parallel_access}
        %dma_start3A_110 = arith.constant 1 : i32
        %dma_start3A_111 = arith.constant 0 : i32
        %dma_start3A_112 = tpu.memref_slice %arg10[%dma_start3A_110, %dma_start3A_111] : memref<2x4096xf32, #tpu.memory_space<vmem>> -> memref<1x4096xf32, #tpu.memory_space<vmem>>
        %dma_start3A_113 = tpu.memref_squeeze %dma_start3A_112 : memref<1x4096xf32, #tpu.memory_space<vmem>> -> memref<4096xf32, #tpu.memory_space<vmem>>
        %dma_start3A_114 = arith.constant 12288 : i32
        %dma_start3A_115 = tpu.memref_slice %arg7[%add3A_18, %dma_start3A_114] : memref<500x16384xf32, #tpu.memory_space<hbm>> -> memref<1x4096xf32, #tpu.memory_space<hbm>>
        %dma_start3A_116 = tpu.memref_squeeze %dma_start3A_115 : memref<1x4096xf32, #tpu.memory_space<hbm>> -> memref<4096xf32, #tpu.memory_space<hbm>>
        %dma_start3A_117 = arith.constant 12288 : i32
        %dma_start3A_118 = tpu.memref_slice %arg7[%add3A_18, %dma_start3A_117] : memref<500x16384xf32, #tpu.memory_space<hbm>> -> memref<1x4096xf32, #tpu.memory_space<hbm>>
        %dma_start3A_119 = tpu.memref_squeeze %dma_start3A_118 : memref<1x4096xf32, #tpu.memory_space<hbm>> -> memref<4096xf32, #tpu.memory_space<hbm>>
        %dma_start3A_120 = arith.constant 0 : i32
        %dma_start3A_121 = tpu.memref_slice %arg10[%dma_start3A_110, %dma_start3A_120] : memref<2x4096xf32, #tpu.memory_space<vmem>> -> memref<1x4096xf32, #tpu.memory_space<vmem>>
        %dma_start3A_122 = tpu.memref_squeeze %dma_start3A_121 : memref<1x4096xf32, #tpu.memory_space<vmem>> -> memref<4096xf32, #tpu.memory_space<vmem>>
        tpu.enqueue_dma source(%dma_start3A_122 : memref<4096xf32, #tpu.memory_space<vmem>>) target(%dma_start3A_119 : memref<4096xf32, #tpu.memory_space<hbm>>) target_semaphore(%arg12 : memref<!tpu.dma_semaphore, #tpu.memory_space<semaphore_mem>>)
        %dma_wait3A_123 = arith.constant 0 : i32
        %dma_wait3A_124 = arith.constant 0 : i32
        %dma_wait3A_125 = arith.constant 0 : i32
        %dma_wait3A_126 = tpu.memref_slice %arg10[%dma_wait3A_123, %dma_wait3A_125] : memref<2x4096xf32, #tpu.memory_space<vmem>> -> memref<1x4096xf32, #tpu.memory_space<vmem>>
        %dma_wait3A_127 = tpu.memref_squeeze %dma_wait3A_126 : memref<1x4096xf32, #tpu.memory_space<vmem>> -> memref<4096xf32, #tpu.memory_space<vmem>>
        %dma_wait3A_128 = arith.constant 0 : i32
        %dma_wait3A_129 = tpu.memref_slice %arg7[%dma_wait3A_124, %dma_wait3A_128] : memref<500x16384xf32, #tpu.memory_space<hbm>> -> memref<1x4096xf32, #tpu.memory_space<hbm>>
        %dma_wait3A_130 = tpu.memref_squeeze %dma_wait3A_129 : memref<1x4096xf32, #tpu.memory_space<hbm>> -> memref<4096xf32, #tpu.memory_space<hbm>>
        %dma_wait3A_131 = arith.constant 0 : i32
        %dma_wait3A_132 = tpu.memref_slice %arg7[%dma_wait3A_124, %dma_wait3A_131] : memref<500x16384xf32, #tpu.memory_space<hbm>> -> memref<1x4096xf32, #tpu.memory_space<hbm>>
        %dma_wait3A_133 = tpu.memref_squeeze %dma_wait3A_132 : memref<1x4096xf32, #tpu.memory_space<hbm>> -> memref<4096xf32, #tpu.memory_space<hbm>>
        %dma_wait3A_134 = arith.constant 0 : i32
        %dma_wait3A_135 = tpu.memref_slice %arg10[%dma_wait3A_123, %dma_wait3A_134] : memref<2x4096xf32, #tpu.memory_space<vmem>> -> memref<1x4096xf32, #tpu.memory_space<vmem>>
        %dma_wait3A_136 = tpu.memref_squeeze %dma_wait3A_135 : memref<1x4096xf32, #tpu.memory_space<vmem>> -> memref<4096xf32, #tpu.memory_space<vmem>>
        tpu.wait_dma2 semaphore(%arg12 : memref<!tpu.dma_semaphore, #tpu.memory_space<semaphore_mem>>) src(%dma_wait3A_136 : memref<4096xf32, #tpu.memory_space<vmem>>) dst(%dma_wait3A_133 : memref<4096xf32, #tpu.memory_space<hbm>>)
        %dma_wait3A_137 = arith.constant 1 : i32
        %dma_wait3A_138 = arith.constant 0 : i32
        %dma_wait3A_139 = arith.constant 0 : i32
        %dma_wait3A_140 = tpu.memref_slice %arg10[%dma_wait3A_137, %dma_wait3A_139] : memref<2x4096xf32, #tpu.memory_space<vmem>> -> memref<1x4096xf32, #tpu.memory_space<vmem>>
        %dma_wait3A_141 = tpu.memref_squeeze %dma_wait3A_140 : memref<1x4096xf32, #tpu.memory_space<vmem>> -> memref<4096xf32, #tpu.memory_space<vmem>>
        %dma_wait3A_142 = arith.constant 0 : i32
        %dma_wait3A_143 = tpu.memref_slice %arg7[%dma_wait3A_138, %dma_wait3A_142] : memref<500x16384xf32, #tpu.memory_space<hbm>> -> memref<1x4096xf32, #tpu.memory_space<hbm>>
        %dma_wait3A_144 = tpu.memref_squeeze %dma_wait3A_143 : memref<1x4096xf32, #tpu.memory_space<hbm>> -> memref<4096xf32, #tpu.memory_space<hbm>>
        %dma_wait3A_145 = arith.constant 0 : i32
        %dma_wait3A_146 = tpu.memref_slice %arg7[%dma_wait3A_138, %dma_wait3A_145] : memref<500x16384xf32, #tpu.memory_space<hbm>> -> memref<1x4096xf32, #tpu.memory_space<hbm>>
        %dma_wait3A_147 = tpu.memref_squeeze %dma_wait3A_146 : memref<1x4096xf32, #tpu.memory_space<hbm>> -> memref<4096xf32, #tpu.memory_space<hbm>>
        %dma_wait3A_148 = arith.constant 0 : i32
        %dma_wait3A_149 = tpu.memref_slice %arg10[%dma_wait3A_137, %dma_wait3A_148] : memref<2x4096xf32, #tpu.memory_space<vmem>> -> memref<1x4096xf32, #tpu.memory_space<vmem>>
        %dma_wait3A_150 = tpu.memref_squeeze %dma_wait3A_149 : memref<1x4096xf32, #tpu.memory_space<vmem>> -> memref<4096xf32, #tpu.memory_space<vmem>>
        tpu.wait_dma2 semaphore(%arg12 : memref<!tpu.dma_semaphore, #tpu.memory_space<semaphore_mem>>) src(%dma_wait3A_150 : memref<4096xf32, #tpu.memory_space<vmem>>) dst(%dma_wait3A_147 : memref<4096xf32, #tpu.memory_space<hbm>>)
      } else {
      }
      %scan3A_21 = arith.constant 0 : i32
      scf.yield %scan3A_21 : i32
    }
    %scan3A_13 = arith.constant 16 : i32
    return
  }
}

module attributes {stable_mosaic.version = 14 : i64} {
  func.func @_tc_dense_body(%arg0: i32, %arg1: memref<500x2048xf32, #tpu.memory_space<vmem>>, %arg2: memref<500x2048xf32, #tpu.memory_space<vmem>>, %arg3: memref<500x64xf32, #tpu.memory_space<vmem>>, %arg4: memref<500x64xf32, #tpu.memory_space<vmem>>, %arg5: memref<1x64xf32, #tpu.memory_space<vmem>>, %arg6: memref<1x64xf32, #tpu.memory_space<vmem>>, %arg7: memref<128x1xf32, #tpu.memory_space<vmem>>, %arg8: memref<1x1xf32, #tpu.memory_space<vmem>>, %arg9: memref<2048x1xf32, #tpu.memory_space<vmem>>) attributes {dimension_semantics = [#tpu.dimension_semantics<arbitrary>], iteration_bounds = array<i64: 8>, scalar_prefetch = 0 : i64, scratch_operands = 0 : i64, tpu.core_type = #tpu.core_type<tc>, window_params = [{transform_indices = @transform_0, window_bounds = array<i64: 500, 2048>}, {transform_indices = @transform_1, window_bounds = array<i64: 500, 2048>}, {pipeline_mode = #tpu.pipeline_mode<synchronous>, transform_indices = @transform_2, window_bounds = array<i64: 500, 64>}, {pipeline_mode = #tpu.pipeline_mode<synchronous>, transform_indices = @transform_3, window_bounds = array<i64: 500, 64>}, {pipeline_mode = #tpu.pipeline_mode<synchronous>, transform_indices = @transform_4, window_bounds = array<i64: 1, 64>}, {pipeline_mode = #tpu.pipeline_mode<synchronous>, transform_indices = @transform_5, window_bounds = array<i64: 1, 64>}, {pipeline_mode = #tpu.pipeline_mode<synchronous>, transform_indices = @transform_6, window_bounds = array<i64: 128, 1>}, {pipeline_mode = #tpu.pipeline_mode<synchronous>, transform_indices = @transform_7, window_bounds = array<i64: 1, 1>}, {transform_indices = @transform_8, window_bounds = array<i64: 2048, 1>}]} {
    %get3A = arith.constant 0 : index
    %get3A_0 = arith.constant 0 : index
    %get3A_1 = vector.load %arg1[%get3A, %get3A_0] : memref<500x2048xf32, #tpu.memory_space<vmem>>, vector<500x2048xf32>
    %get3A_2 = arith.constant 0 : index
    %get3A_3 = arith.constant 0 : index
    %get3A_4 = vector.load %arg3[%get3A_2, %get3A_3] : memref<500x64xf32, #tpu.memory_space<vmem>>, vector<500x64xf32>
    %dot_general3A = arith.constant dense<0.000000e+00> : vector<2048x64xf32>
    %dot_general3A_5 = tpu.matmul %get3A_1, %get3A_4, %dot_general3A {dimension_numbers = #tpu.dot_dimension_numbers<[0], [0], [1], [1], [0, 1, 1, 1], [], []>, transpose_lhs_hint = false} : vector<500x2048xf32>, vector<500x64xf32>, vector<2048x64xf32> -> vector<2048x64xf32>
    %get3A_6 = arith.constant 0 : index
    %get3A_7 = arith.constant 0 : index
    %get3A_8 = vector.load %arg5[%get3A_6, %get3A_7] : memref<1x64xf32, #tpu.memory_space<vmem>>, vector<1x64xf32>
    %add3A = vector.broadcast %get3A_8 : vector<1x64xf32> to vector<2048x64xf32>
    %add3A_9 = arith.addf %dot_general3A_5, %add3A : vector<2048x64xf32>
    %max3A = arith.constant 0.000000e+00 : f32
    %max3A_10 = vector.broadcast %max3A : f32 to vector<2048x64xf32>
    %max3A_11 = arith.maximumf %add3A_9, %max3A_10 : vector<2048x64xf32>
    %get3A_12 = arith.constant 0 : index
    %get3A_13 = arith.constant 0 : index
    %get3A_14 = vector.load %arg2[%get3A_12, %get3A_13] : memref<500x2048xf32, #tpu.memory_space<vmem>>, vector<500x2048xf32>
    %get3A_15 = arith.constant 0 : index
    %get3A_16 = arith.constant 0 : index
    %get3A_17 = vector.load %arg4[%get3A_15, %get3A_16] : memref<500x64xf32, #tpu.memory_space<vmem>>, vector<500x64xf32>
    %dot_general3A_18 = arith.constant dense<0.000000e+00> : vector<2048x64xf32>
    %dot_general3A_19 = tpu.matmul %get3A_14, %get3A_17, %dot_general3A_18 {dimension_numbers = #tpu.dot_dimension_numbers<[0], [0], [1], [1], [0, 1, 1, 1], [], []>, transpose_lhs_hint = false} : vector<500x2048xf32>, vector<500x64xf32>, vector<2048x64xf32> -> vector<2048x64xf32>
    %get3A_20 = arith.constant 0 : index
    %get3A_21 = arith.constant 0 : index
    %get3A_22 = vector.load %arg6[%get3A_20, %get3A_21] : memref<1x64xf32, #tpu.memory_space<vmem>>, vector<1x64xf32>
    %add3A_23 = vector.broadcast %get3A_22 : vector<1x64xf32> to vector<2048x64xf32>
    %add3A_24 = arith.addf %dot_general3A_19, %add3A_23 : vector<2048x64xf32>
    %max3A_25 = arith.constant 0.000000e+00 : f32
    %max3A_26 = vector.broadcast %max3A_25 : f32 to vector<2048x64xf32>
    %max3A_27 = arith.maximumf %add3A_24, %max3A_26 : vector<2048x64xf32>
    %get3A_28 = arith.constant 0 : index
    %get3A_29 = arith.constant 0 : index
    %get3A_30 = vector.load %arg7[%get3A_28, %get3A_29] : memref<128x1xf32, #tpu.memory_space<vmem>>, vector<64x1xf32>
    %dot_general3A_31 = arith.constant dense<0.000000e+00> : vector<2048x1xf32>
    %dot_general3A_32 = tpu.matmul %max3A_11, %get3A_30, %dot_general3A_31 {dimension_numbers = #tpu.dot_dimension_numbers<[1], [0], [0], [1], [0, 0, 1, 1], [], []>, transpose_lhs_hint = false} : vector<2048x64xf32>, vector<64x1xf32>, vector<2048x1xf32> -> vector<2048x1xf32>
    %get3A_33 = arith.constant 64 : index
    %get3A_34 = arith.constant 0 : index
    %get3A_35 = vector.load %arg7[%get3A_33, %get3A_34] : memref<128x1xf32, #tpu.memory_space<vmem>>, vector<64x1xf32>
    %dot_general3A_36 = arith.constant dense<0.000000e+00> : vector<2048x1xf32>
    %dot_general3A_37 = tpu.matmul %max3A_27, %get3A_35, %dot_general3A_36 {dimension_numbers = #tpu.dot_dimension_numbers<[1], [0], [0], [1], [0, 0, 1, 1], [], []>, transpose_lhs_hint = false} : vector<2048x64xf32>, vector<64x1xf32>, vector<2048x1xf32> -> vector<2048x1xf32>
    %add3A_38 = arith.addf %dot_general3A_32, %dot_general3A_37 : vector<2048x1xf32>
    %get3A_39 = arith.constant 0 : index
    %get3A_40 = arith.constant 0 : index
    %get3A_41 = vector.load %arg8[%get3A_39, %get3A_40] : memref<1x1xf32, #tpu.memory_space<vmem>>, vector<1x1xf32>
    %add3A_42 = vector.broadcast %get3A_41 : vector<1x1xf32> to vector<2048x1xf32>
    %add3A_43 = arith.addf %add3A_38, %add3A_42 : vector<2048x1xf32>
    %swap3A = arith.constant 0 : index
    %swap3A_44 = arith.constant 0 : index
    %swap3A_45 = vector.load %arg9[%swap3A, %swap3A_44] : memref<2048x1xf32, #tpu.memory_space<vmem>>, vector<2048x1xf32>
    tpu.vector_store %arg9[%swap3A, %swap3A_44], %add3A_43 {strides = array<i32>} : memref<2048x1xf32, #tpu.memory_space<vmem>>, vector<2048x1xf32>,
    return
  }
  func.func @transform_0(%arg0: i32) -> (i32, i32) {
    %c0_i32 = arith.constant 0 : i32
    %c0_i32_0 = arith.constant 0 : i32
    return %c0_i32, %arg0 : i32, i32
  }
  func.func @transform_1(%arg0: i32) -> (i32, i32) {
    %c0_i32 = arith.constant 0 : i32
    %c0_i32_0 = arith.constant 0 : i32
    return %c0_i32, %arg0 : i32, i32
  }
  func.func @transform_2(%arg0: i32) -> (i32, i32) {
    %c0_i32 = arith.constant 0 : i32
    %c0_i32_0 = arith.constant 0 : i32
    %c0_i32_1 = arith.constant 0 : i32
    return %c0_i32, %c0_i32_0 : i32, i32
  }
  func.func @transform_3(%arg0: i32) -> (i32, i32) {
    %c0_i32 = arith.constant 0 : i32
    %c0_i32_0 = arith.constant 0 : i32
    %c0_i32_1 = arith.constant 0 : i32
    return %c0_i32, %c0_i32_0 : i32, i32
  }
  func.func @transform_4(%arg0: i32) -> (i32, i32) {
    %c0_i32 = arith.constant 0 : i32
    %c0_i32_0 = arith.constant 0 : i32
    %c0_i32_1 = arith.constant 0 : i32
    return %c0_i32, %c0_i32_0 : i32, i32
  }
  func.func @transform_5(%arg0: i32) -> (i32, i32) {
    %c0_i32 = arith.constant 0 : i32
    %c0_i32_0 = arith.constant 0 : i32
    %c0_i32_1 = arith.constant 0 : i32
    return %c0_i32, %c0_i32_0 : i32, i32
  }
  func.func @transform_6(%arg0: i32) -> (i32, i32) {
    %c0_i32 = arith.constant 0 : i32
    %c0_i32_0 = arith.constant 0 : i32
    %c0_i32_1 = arith.constant 0 : i32
    return %c0_i32, %c0_i32_0 : i32, i32
  }
  func.func @transform_7(%arg0: i32) -> (i32, i32) {
    %c0_i32 = arith.constant 0 : i32
    %c0_i32_0 = arith.constant 0 : i32
    %c0_i32_1 = arith.constant 0 : i32
    return %c0_i32, %c0_i32_0 : i32, i32
  }
  func.func @transform_8(%arg0: i32) -> (i32, i32) {
    %c0_i32 = arith.constant 0 : i32
    %c0_i32_0 = arith.constant 0 : i32
    return %arg0, %c0_i32 : i32, i32
  }
}

</mosaic_0001>

<sc_bundles>
// kernel: kernel.4.cloned.1.call-start
scs
__scs_entry_jumppad:
0x0: {  	(pc) =	sbr.rel $0x88, $3  }
0x1: {  	(tag) =	ssettag $0x0;
	lr =	simm.s32 $0x1  }
0x2: {  	[smem:$0x3F97] =	sst lr;
	_ =	strace $0xD0000000  }
0x3: {  	_ = 	snop  }
0x4: {  	_ = 	snop  }
0x5: {  	_ = 	snop  }
0x6: {  	_ = 	snop  }
0x7: {  	_ = 	snop  }
__scs_overlays_trampoline_lowered:
0x8: {  	[smem:$0x3FA6] =	sst s0  }
0x9: {  	[smem:$0x3FA7] =	sst s1  }
0xa: {  	[smem:$0x3FA8] =	sst s2  }
0xb: {  	[smem:$0x3FA9] =	sst s3  }
0xc: {  	[smem:$0x3FAA] =	sst s4  }
0xd: {  	[smem:$0x3FAB] =	sst s5  }
0xe: {  	[smem:$0x3FAC] =	sst s6  }
0xf: {  	[smem:$0x3FAD] =	sst s7  }
0x10: {  	[smem:$0x3FAE] =	sst s8  }
0x11: {  	[smem:$0x3FAF] =	sst s9;
	s0 =	simm.s32 @!p0 $0x0  }
0x12: {  	s1 =	sld [smem:$0x3F95];
	s0 =	simm.s32 @p0 $0x1  }
0x13: {  	[smem:$0x3FB0] =	sst s0;
	s0 =	simm.s32 @!p1 $0x0  }
0x14: {  	s2 =	sld [smem:$0x3F94];
	s0 =	simm.s32 @p1 $0x1  }
0x15: {  	[smem:$0x3FB1] =	sst s0;
	s0 =	simm.s32 @!p2 $0x0  }
0x16: {  	s3 =	sld [smem:$0x3FDB];
	s0 =	simm.s32 @p2 $0x1  }
0x17: {  	s4 =	simm.s32 $0x1BF5;
	[smem:$0x3FB3] =	sst s0  }
0x18: {  	s0 =	sld [smem:$0x3F96];
	_ =	swait.ge [sflag:s4], $0x0  }
0x19: {  	s7 =	sld [smem:$0x3F97]  }
0x1a: {  	s8 =	sadd.s32 $0xFFFFE003, lr  }
0x1b: {  	s9 =	sadd.s32 $0xFFFFFEF7, lr;
	s5 =	simm.s32 $0xFFFFFFFF;
	p2 =	slt.u32 s8, $0xFFFFF086  }
0x1c: {  	p1 =	slt.u32 s9, $0xF7A;
	s5 =	simm.s32 @!p2 $0x0  }
0x1d: {  	s5 =	simm.s32 @p1 $0x1;
	p0 =	seq.s32 s7, s2  }
0x1e: {  	s7 =	smul.u32 @!p0 $0xF7A, s2;
	p2 =	seq.s32 @!p0 s5, $0x0  }
0x1f: {  	s9 =	smul.u32 $0xF7A, s1;
	s8 =	simm.s32 @!p0 $0x1BF5;
	p2 =	por !p2, p0  }
0x20: {  	[sflag:s8] =	ssyncset.s32 @!p0 $0xFFFFF086;
	s6 =	sadd.s32 @!p0 s3, s7;
	s7 =	simm.s32 @!p0 $0x108  }
0x21: {  	s3 =	sadd.s32 s3, s9;
	s6 =	sadd.s32 @!p0 $0x88, s6;
	s7 =	simm.s32 @p2 $0x1082  }
0x22: {  	[simem:s7], [sflag:s8] =	dma.local @!p0 [hbm:s6], $0xF7A  }
0x23: {  	s9 =	sor.u32 $0xD0000000, s2;
	s6 =	simm.s32 $0x108;
	_ =	swait.ge @!p0 [sflag:s8], $0x0  }
0x24: {  	s3 =	sadd.s32 $0x88, s3;
	s6 =	simm.s32 @!p1 $0x1082;
	[sflag:s4] =	ssyncset.s32 $0xFFFFF086  }
0x25: {  	[simem:s6], [sflag:s4] =	dma.local [hbm:s3], $0xF7A  }
0x26: {  	[smem:$0x3F97] =	sst s1;
	(tag) =	ssettag s2;
	_ =	strace s9  }
0x27: {  	s1 =	sld [smem:$0x3FA7]  }
0x28: {  	s2 =	sld [smem:$0x3FA8]  }
0x29: {  	s4 =	sld [smem:$0x3FAA]  }
0x2a: {  	p0 =	seq.s32 s5, $0x0;
	s5 =	sld [smem:$0x3FAB]  }
0x2b: {  	s6 =	sld [smem:$0x3FAC]  }
0x2c: {  	s7 =	sld [smem:$0x3FAD]  }
0x2d: {  	s3 =	simm.s32 $0x108;
	s8 =	sld [smem:$0x3FAE]  }
0x2e: {  	s3 =	simm.s32 @!p0 $0x1082;
	s9 =	sld [smem:$0x3FAF]  }
0x2f: {  	lr =	sadd.s32 s0, s3;
	s0 =	sld [smem:$0x3FA6]  }
0x30: {  	s3 =	sld [smem:$0x3FA9]  }
0x31: {  	[smem:$0x3FB2] =	sst s10  }
0x32: {  	s10 =	sld [smem:$0x3FB0];
	_ =	sdelay $0x3  }
0x33: {  	p0 =	seq.s32 s10, $0x1;
	s10 =	sld [smem:$0x3FB2];
	_ =	sdelay $0x3  }
0x34: {  	[smem:$0x3FB2] =	sst s10  }
0x35: {  	s10 =	sld [smem:$0x3FB1];
	_ =	sdelay $0x3  }
0x36: {  	p1 =	seq.s32 s10, $0x1;
	s10 =	sld [smem:$0x3FB2];
	_ =	sdelay $0x3  }
0x37: {  	[smem:$0x3FB2] =	sst s10  }
0x38: {  	s10 =	sld [smem:$0x3FB3]  }
0x39: {  	_ = 	snop;
	(pc) =	sbr.ind lr, $3  }
0x3a: {  	_ = 	snop  }
0x3b: {  	_ = 	snop  }
0x3c: {  	p2 =	seq.s32 s10, $0x1;
	s10 =	sld [smem:$0x3FB2]  }
0x3d: {  	_ =	shalt  }
0x3e: {  	_ =	shalt  }
0x3f: {  	_ =	shalt  }
0x40: {  	_ =	shalt  }
0x41: {  	_ =	shalt  }
0x42: {  	_ =	shalt  }
0x43: {  	_ =	shalt  }
0x44: {  	_ =	shalt  }
0x45: {  	_ =	shalt  }
0x46: {  	_ =	shalt  }
0x47: {  	_ =	shalt  }
0x48: {  	_ =	shalt  }
0x49: {  	_ =	shalt  }
0x4a: {  	_ =	shalt  }
0x4b: {  	_ =	shalt  }
0x4c: {  	_ =	shalt  }
0x4d: {  	_ =	shalt  }
0x4e: {  	_ =	shalt  }
0x4f: {  	_ =	shalt  }
0x50: {  	_ =	shalt  }
0x51: {  	_ =	shalt  }
0x52: {  	_ =	shalt  }
0x53: {  	_ =	shalt  }
0x54: {  	_ =	shalt  }
0x55: {  	_ =	shalt  }
0x56: {  	_ =	shalt  }
0x57: {  	_ =	shalt  }
0x58: {  	_ =	shalt  }
0x59: {  	_ =	shalt  }
0x5a: {  	_ =	shalt  }
0x5b: {  	_ =	shalt  }
0x5c: {  	_ =	shalt  }
0x5d: {  	_ =	shalt  }
0x5e: {  	_ =	shalt  }
0x5f: {  	_ =	shalt  }
0x60: {  	_ =	shalt  }
0x61: {  	_ =	shalt  }
0x62: {  	_ =	shalt  }
0x63: {  	_ =	shalt  }
0x64: {  	_ =	shalt  }
0x65: {  	_ =	shalt  }
0x66: {  	_ =	shalt  }
0x67: {  	_ =	shalt  }
0x68: {  	_ =	shalt  }
0x69: {  	_ =	shalt  }
0x6a: {  	_ =	shalt  }
0x6b: {  	_ =	shalt  }
0x6c: {  	_ =	shalt  }
0x6d: {  	_ =	shalt  }
0x6e: {  	_ =	shalt  }
0x6f: {  	_ =	shalt  }
0x70: {  	_ =	shalt  }
0x71: {  	_ =	shalt  }
0x72: {  	_ =	shalt  }
0x73: {  	_ =	shalt  }
0x74: {  	_ =	shalt  }
0x75: {  	_ =	shalt  }
0x76: {  	_ =	shalt  }
0x77: {  	_ =	shalt  }
0x78: {  	_ =	shalt  }
0x79: {  	_ =	shalt  }
0x7a: {  	_ =	shalt  }
0x7b: {  	_ =	shalt  }
0x7c: {  	_ =	shalt  }
0x7d: {  	_ =	shalt  }
0x7e: {  	_ =	shalt  }
0x7f: {  	_ =	shalt  }
0x80: {  	_ =	shalt  }
0x81: {  	_ =	shalt  }
0x82: {  	_ =	shalt  }
0x83: {  	_ =	shalt  }
0x84: {  	_ =	shalt  }
0x85: {  	_ =	shalt  }
0x86: {  	_ =	shalt  }
0x87: {  	_ =	shalt  }
.Lfunc_end0:
.L_simem_size_0:
called_computation_lowered:
.L_overlay_start_0:
0x88: {  	s2 =	sld [smem:$0x3FD9]  }
0x89: {  	s3 =	sld [smem:$0x3FFE];
	_ =	sdelay $0x1  }
0x8a: {  	s1 =	srdreg.scid  }
0x8b: {  	s0 =	sand.u32 $0x1, s1  }
0x8c: {  	s17 =	sshll.u32 s0, $0xA;
	s2 =	sadd.s32 s3, s2  }
0x8d: {  	s2 =	sadd.s32 s2, s17  }
0x8e: {  	[smem:$0x3FBE] =	sst s2  }
0x8f: {  	_ = 	snop  }
0x90: {  	s2 =	sld [smem:$0x3FC9]  }
0x91: {  	s18 =	sld [smem:$0x3FC8]  }
0x92: {  	s4 =	sld [smem:$0x3FC7]  }
0x93: {  	s5 =	sld [smem:$0x3FC6];
	(tm) =	ssettm $0x1  }
0x94: {  	s6 =	sld [smem:$0x3FFB];
	_ =	sdelay $0x3  }
0x95: {  	_ =	strace s6  }
0x96: {  	s6 =	sld [smem:$0x3FFC];
	_ =	sdelay $0x3  }
0x97: {  	_ =	strace s6  }
0x98: {  	s6 =	sld [smem:$0x3FFD];
	_ =	sdelay $0x3  }
0x99: {  	_ =	strace s6  }
0x9a: {  	_ =	strace $0x8FFFFFFF  }
0x9b: {  	s19 =	sld [smem:$0x3FDB];
	_ =	sdelay $0x1  }
0x9c: {  	s7 =	simm.s32 $_scs_section_size  }
0x9d: {  	s8 =	simm.s32 $_size__tile_overlayer_lowered;
	s9 =	simm.s32 $_tile_overlayer_lowered  }
0x9e: {  	s22 =	simm.s32 $0x1BFF;
	s21 =	sshll.u32 s9, $0x1;
	s6 =	sadd.s32 s7, s19  }
0x9f: {  	s10 =	simm.s32 $0x0;
	s20 =	sshll.u32 s8, $0x1;
	s8 =	sadd.s32 s21, s6  }
0xa0: {  	[timem:s10], [sflag:s22] =	dma.local [hbm:s8], s20  }
0xa1: {  	_ =	swait.ge [sflag:s22], s20  }
0xa2: {  	s7 =	ssub.s32 $0x0, s20;
	[sflag:s22] =	ssyncset.done $0x0  }
0xa3: {  	[sflag:s22] =	ssyncadd.s32 s7;
	_ =	sdelay $0x1  }
0xa4: {  	s23 =	simm.s32 $0x1B8B  }
0xa5: {  	_ =	swait.ge [sflag:s23], $0x1  }
0xa6: {  	[sflag:s23] =	ssyncset.done $0x0  }
0xa7: {  	s25 =	simm.s32 $0x1B8E;
	s24 =	sld [smem:$0x3FFE];
	[sflag:s23] =	ssyncadd.s32 $0xFFFFFFFF  }
0xa8: {  	s26 =	simm.s32 $execute0_lowered;
	[smem:$0x3FD2] =	sst s25  }
0xa9: {  	s8 =	sshll.u32 s26, $0x1;
	_ =	strace $0x80000046;
	[dreg:$0x1] =	wrdreg $0xFFFFFFFF  }
0xaa: {  	s28 =	simm.s32 $_size_execute0_lowered;
	s6 =	sadd.s32 s6, s8;
	[dreg:$0x0] =	wrdreg $0x0  }
0xab: {  	s8 =	sshll.u32 s28, $0x1;
	[dreg:$0x2] =	wrdreg s6  }
0xac: {  	[dreg:$0x3] =	wrdreg s8  }
0xad: {  	[dreg:$0x4] =	wrdreg $0xC0  }
0xae: {  	_ =	task [dreg:s10], $0x5FFFF  }
0xaf: {  	[dreg:$0x1] =	wrdreg $0xFFFFFFFF  }
0xb0: {  	[dreg:$0x0] =	wrdreg $0x60  }
0xb1: {  	[dreg:$0x2] =	wrdreg s2  }
0xb2: {  	[dreg:$0x3] =	wrdreg s18  }
0xb3: {  	[dreg:$0x4] =	wrdreg s4  }
0xb4: {  	[dreg:$0x5] =	wrdreg s5  }
0xb5: {  	[dreg:$0x6] =	wrdreg s24  }
0xb6: {  	[dreg:$0x7] =	wrdreg $0x9  }
0xb7: {  	_ =	task.clear_ibuf [dreg:s10], $0x8FFFF;
	_ =	strace $0x90000046  }
0xb8: {  	s29 =	simm.s32 $0x9;
	_ =	strace $0x80000048  }
0xb9: {  	_ =	swait.ge [sflag:s29], $0x1  }
0xba: {  	[sflag:s29] =	ssyncadd.s32 $0xFFFFFFFF  }
0xbb: {  	_ =	strace $0x90000048  }
0xbc: {  	_ =	sfence  }
0xbd: {  	s30 =	sld [smem:$0x0];
	_ =	sdelay $0x2  }
0xbe: {  	s31 =	sshll.u32 s1, $0xD;
	s1 =	sshrl.u32 s1, $0x2  }
0xbf: {  	s3 =	sand.u32 $0x4000, s31;
	s1 =	sadd.s32 s1, s30  }
0xc0: {  	s0 =	sor.u32 s3, s0;
	s1 =	sshll.u32 s1, $0x11  }
0xc1: {  	s0 =	sor.u32 s1, s0  }
0xc2: {  	s0 =	sadd.s32 $0x8F2B, s0  }
0xc3: {  	[sflag:s0] =	ssyncadd.remote.s32 $0x1  }
0xc4: {  	_ =	sfence.sel $0xFFFF  }
0xc5: {  	[dreg:$0x0] =	wrdreg $0xFFFFFFFF;
	(pc) =	sbr.abs _section_cstart, $3  }
0xc6: {  	[dreg:$0x1] =	wrdreg $0xFFFFFFFF  }
0xc7: {  	_ =	task.clear_ibuf [dreg:s10], $0x2FFFF;
	_ =	strace $0x9FFFFFFF  }
0xc8: {  	(tm) =	ssettm $0x7FFFFFFF  }
0xc9: {  	_ =	shalt  }
tec
execute0_lowered:
.L_overlay_start_1:
0x0: {  	(tag) =	ssettag $0x1  }
0x1: {  	s1 =	rddreg [dreg:$0x0]  }
0x2: {  	s2 =	rddreg [dreg:$0x1]  }
0x3: {  	s3 =	rddreg [dreg:$0x2]  }
0x4: {  	s4 =	rddreg [dreg:$0x3]  }
0x5: {  	s0 =	rddreg [dreg:$0x4]  }
0x6: {  	s6 =	simm.s32 $0x0;
	s7 =	srdreg.scid;
	s5 =	stileid.u32  }
0x7: {  	s18 =	simm.s32 $0x3;
	s19 =	simm.s32 $0x80;
	s20 =	simm.s32 $0x400  }
0x8: {  	s21 =	simm.s32 $0x4000;
	s22 =	simm.s32 $0x1;
	s23 =	simm.s32 $0x2  }
0x9: {  	s24 =	simm.s32 $0x0;
	[smem:$0x7FF] =	sst s6;
	s8 =	sand.u32 $0x1, s7  }
0xa: {  	s9 =	sshll.u32 s5, $0x1;
	s7 =	sadd.s32 $0x1200, s0;
	s12 =	sadd.s32 $0x3200, s0  }
.Ltmp0:
0xb: {  	s13 =	sadd.s32 $0x4200, s0;
	s14 =	sadd.s32 $0xFE200, s0;
	(pc) =	sbr.rel .LBB2_1-.Ltmp0, $4  }
0xc: {  	s15 =	sadd.s32 $0xFF200, s0;
	s16 =	sadd.s32 $0x100200, s0;
	s10 =	ssub.s32 $0x2, s8  }
0xd: {  	_ =	strace $0x80000047;
	s8 =	sor.u32 s8, s9;
	s11 =	sshrl.u32 s10, $0x1  }
0xe: {  	s9 =	sadd.s32 $0xFD200, s0;
	s31 =	sshll.u32 s8, $0x7;
	s17 =	ssub.s32 s10, s11  }
0xf: {  	s10 =	sand.u32 $0x380, s31;
	s11 =	sadd.s32 $0x2200, s0;
	s17 =	smax.u32 s17, $0x1  }
.LBB2_41:
0x10: {  	s24 =	sadd.s32 $0x1, s24  }
0x11: {  	p0 =	sne.s32 s24, s17  }
.Ltmp1:
0x12: {  	_ = 	snop;
	(pc) =	sbr.rel @!p0 .LBB2_42-.Ltmp1, $1  }
0x13: {  	_ =	sdelay $0x3  }
.LBB2_1:
.Ltmp2:
0x14: {  	(pc) =	sbr.rel .LBB2_2-.Ltmp2, $4  }
0x15: {  	[tilespmem:s6], [sflag:$0x3] =	stream.linear.gather [hbm4b:s1+s6], $0x4000, $0x38;
	[tilespmem:$0x1E700] =	vst v63  }
0x16: {  	_ =	swait.ge [sflag:s18], $0x4000  }
0x17: {  	[sflag:s18] =	ssyncset.done $0x0  }
0x18: {  	s25 =	simm.s32 $0x0;
	[sflag:s18] =	ssyncadd.s32 $0xFFFFC000  }
.LBB2_20:
0x19: {  	s25 =	sadd.s32 $0x1, s25  }
0x1a: {  	p0 =	sne.s32 s25, $0x10  }
.Ltmp3:
0x1b: {  	_ = 	snop;
	(pc) =	sbr.rel @!p0 .LBB2_21-.Ltmp3, $1  }
0x1c: {  	_ =	sdelay $0x3  }
.LBB2_2:
0x1d: {  	s0 =	sshll.u32 s25, $0x5  }
0x1e: {  	s0 =	sor.u32 s8, s0  }
0x1f: {  	p0 =	sgt.u32 s0, $0x1F3  }
.Ltmp4:
0x20: {  	_ = 	snop;
	(pc) =	sbr.rel @p0 .LBB2_20-.Ltmp4, $1  }
0x21: {  	_ =	sdelay $0x3  }
0x22: {  	s26 =	sshrl.u32 s0, $0x3  }
0x23: {  	s0 =	smul.u32 $0xC3800, s26;
	_ =	sdelay $0x1  }
0x24: {  	s0 =	sor.u32 s10, s0  }
0x25: {  	s0 =	sshrl.u32 s0, $0x3  }
0x26: {  	s0 =	sadd.s32 s3, s0  }
0x27: {  	[tilespmem:s21], [sflag:$0x1] =	stream.strided.gather [hbm4b:s0+s19], $0x18700, s20, s19, $0x38;
	[tilespmem:$0x1E700] =	vst v63  }
0x28: {  	_ =	swait.ge [sflag:s22], $0x18700  }
0x29: {  	[sflag:s22] =	ssyncset.done $0x0  }
0x2a: {  	s31 =	simm.s32 $0x100;
	[sflag:s22] =	ssyncadd.s32 $0xFFFE7900  }
0x2b: {  	v0 =	vld [tilespmem:s31+$0xF0]  }
0x2c: {  	v1 =	vld [tilespmem:s31+$0xFFFFFF10]  }
0x2d: {  	v2 =	vld [tilespmem:s31+$0xFFFFFF20]  }
0x2e: {  	v3 =	vld [tilespmem:s31+$0xFFFFFF30]  }
0x2f: {  	v4 =	vld [tilespmem:s31+$0xFFFFFF40]  }
0x30: {  	v5 =	vld [tilespmem:s31+$0xFFFFFF50]  }
0x31: {  	v6 =	vld [tilespmem:s31+$0xFFFFFF60]  }
0x32: {  	v7 =	vld [tilespmem:s31+$0xFFFFFF70]  }
0x33: {  	v8 =	vld [tilespmem:s31+$0xFFFFFF80]  }
0x34: {  	v9 =	vld [tilespmem:s31+$0xFFFFFF90]  }
0x35: {  	v10 =	vld [tilespmem:s31+$0xFFFFFFA0]  }
0x36: {  	v11 =	vld [tilespmem:s31+$0xFFFFFFB0]  }
0x37: {  	v12 =	vld [tilespmem:s31+$0xFFFFFFC0]  }
0x38: {  	v13 =	vld [tilespmem:s31+$0xFFFFFFD0]  }
0x39: {  	v14 =	vld [tilespmem:s31+$0xFFFFFFE0]  }
0x3a: {  	v15 =	vld [tilespmem:s31+$0xFFFFFFF0]  }
0x3b: {  	v16 =	vld [tilespmem:s31+$0x0]  }
0x3c: {  	v17 =	vld [tilespmem:s31+$0x10]  }
0x3d: {  	v18 =	vld [tilespmem:s31+$0x20]  }
0x3e: {  	v19 =	vld [tilespmem:s31+$0x30]  }
0x3f: {  	v20 =	vld [tilespmem:s31+$0x40]  }
0x40: {  	v21 =	vld [tilespmem:s31+$0x50]  }
0x41: {  	v22 =	vld [tilespmem:s31+$0x60]  }
0x42: {  	v23 =	vld [tilespmem:s31+$0x70]  }
0x43: {  	v24 =	vld [tilespmem:s31+$0x80]  }
0x44: {  	v25 =	vld [tilespmem:s31+$0x90]  }
0x45: {  	v26 =	vld [tilespmem:s31+$0xA0]  }
0x46: {  	v27 =	vld [tilespmem:s31+$0xB0]  }
0x47: {  	v28 =	vld [tilespmem:s31+$0xC0]  }
0x48: {  	v29 =	vld [tilespmem:s31+$0xD0]  }
0x49: {  	v30 =	vld [tilespmem:s31+$0xE0]  }
0x4a: {  	v31 =	vld [tilespmem:s31+$0xFFFFFF00]  }
0x4b: {  	v0 =	vld.idx.msk [tilespmem:v0+s21+$0x0], $0xffff  }
0x4c: {  	v1 =	vld.idx.msk [tilespmem:v1+s21+$0x0], $0xffff  }
0x4d: {  	v2 =	vld.idx.msk [tilespmem:v2+s21+$0x0], $0xffff  }
0x4e: {  	v3 =	vld.idx.msk [tilespmem:v3+s21+$0x0], $0xffff  }
0x4f: {  	v4 =	vld.idx.msk [tilespmem:v4+s21+$0x0], $0xffff  }
0x50: {  	s28 =	simm.s32 $0x1C900;
	v5 =	vld.idx.msk [tilespmem:v5+s21+$0x0], $0xffff  }
0x51: {  	[tilespmem:s28+$0x170] =	vst v0;
	v0 =	vld.idx.msk [tilespmem:v6+s21+$0x0], $0xffff  }
0x52: {  	[tilespmem:s28+$0xFFFFFE10] =	vst v1;
	v1 =	vld.idx.msk [tilespmem:v7+s21+$0x0], $0xffff  }
0x53: {  	v6 =	vld.idx.msk [tilespmem:v31+s21+$0x0], $0xffff;
	[tilespmem:s28+$0xFFFFFE20] =	vst v2  }
0x54: {  	[tilespmem:s28+$0xFFFFFE30] =	vst v3;
	v2 =	vld.idx.msk [tilespmem:v8+s21+$0x0], $0xffff  }
0x55: {  	[tilespmem:s28+$0xFFFFFE40] =	vst v4;
	v3 =	vld.idx.msk [tilespmem:v9+s21+$0x0], $0xffff  }
0x56: {  	[tilespmem:s28+$0xFFFFFE50] =	vst v5;
	v4 =	vld.idx.msk [tilespmem:v10+s21+$0x0], $0xffff  }
0x57: {  	v5 =	vld.idx.msk [tilespmem:v13+s21+$0x0], $0xffff;
	[tilespmem:s28+$0xFFFFFE60] =	vst v0  }
0x58: {  	v7 =	vld.idx.msk [tilespmem:v24+s21+$0x0], $0xffff;
	[tilespmem:s28+$0xFFFFFE70] =	vst v1  }
0x59: {  	v0 =	vld.idx.msk [tilespmem:v11+s21+$0x0], $0xffff;
	[tilespmem:s28+$0xFFFFFE00] =	vst v6  }
0x5a: {  	v1 =	vld.idx.msk [tilespmem:v12+s21+$0x0], $0xffff;
	[tilespmem:s28+$0xFFFFFF00] =	vst v2  }
0x5b: {  	v2 =	vld.idx.msk [tilespmem:v14+s21+$0x0], $0xffff;
	[tilespmem:s28+$0xFFFFFF10] =	vst v3  }
0x5c: {  	v3 =	vld.idx.msk [tilespmem:v15+s21+$0x0], $0xffff;
	[tilespmem:s28+$0xFFFFFF20] =	vst v4  }
0x5d: {  	v4 =	vld.idx.msk [tilespmem:v16+s21+$0x0], $0xffff;
	[tilespmem:s28+$0xFFFFFF50] =	vst v5  }
0x5e: {  	v5 =	vld.idx.msk [tilespmem:v19+s21+$0x0], $0xffff;
	[tilespmem:s28+$0x100] =	vst v7  }
0x5f: {  	v6 =	vld.idx.msk [tilespmem:v23+s21+$0x0], $0xffff;
	[tilespmem:s28+$0xFFFFFF30] =	vst v0  }
0x60: {  	v0 =	vld.idx.msk [tilespmem:v17+s21+$0x0], $0xffff;
	[tilespmem:s28+$0xFFFFFF40] =	vst v1  }
0x61: {  	v1 =	vld.idx.msk [tilespmem:v18+s21+$0x0], $0xffff;
	[tilespmem:s28+$0xFFFFFF60] =	vst v2  }
0x62: {  	v2 =	vld.idx.msk [tilespmem:v20+s21+$0x0], $0xffff;
	[tilespmem:s28+$0xFFFFFF70] =	vst v3  }
0x63: {  	v3 =	vld.idx.msk [tilespmem:v21+s21+$0x0], $0xffff;
	[tilespmem:s28+$0x0] =	vst v4  }
0x64: {  	v4 =	vld.idx.msk [tilespmem:v22+s21+$0x0], $0xffff;
	[tilespmem:s28+$0x30] =	vst v5  }
0x65: {  	[tilespmem:s28+$0x70] =	vst v6;
	v5 =	vld.idx.msk [tilespmem:v30+s21+$0x0], $0xffff  }
0x66: {  	[tilespmem:s28+$0x10] =	vst v0;
	v0 =	vld.idx.msk [tilespmem:v25+s21+$0x0], $0xffff  }
0x67: {  	[tilespmem:s28+$0x20] =	vst v1;
	v1 =	vld.idx.msk [tilespmem:v26+s21+$0x0], $0xffff  }
0x68: {  	[tilespmem:s28+$0x40] =	vst v2;
	v2 =	vld.idx.msk [tilespmem:v27+s21+$0x0], $0xffff  }
0x69: {  	[tilespmem:s28+$0x50] =	vst v3;
	v3 =	vld.idx.msk [tilespmem:v28+s21+$0x0], $0xffff  }
0x6a: {  	s29 =	simm.s32 $0x0;
	s30 =	simm.s32 $0x300;
	[tilespmem:s28+$0x60] =	vst v4;
	v4 =	vld.idx.msk [tilespmem:v29+s21+$0x0], $0xffff  }
.LBB2_4:
0x6b: {  	v6 =	vld [tilespmem:s30+$0xF0];
	s29 =	sadd.s32 $0x20, s29;
	[tilespmem:s28+$0x110] =	vst v0  }
0x6c: {  	v0 =	vld [tilespmem:s30+$0xFFFFFF10];
	p0 =	slt.u32 s29, $0xE0;
	[tilespmem:s28+$0x120] =	vst v1  }
0x6d: {  	v1 =	vld [tilespmem:s30+$0xFFFFFF20];
	[tilespmem:s28+$0x130] =	vst v2  }
0x6e: {  	v2 =	vld [tilespmem:s30+$0xFFFFFF30];
	[tilespmem:s28+$0x140] =	vst v3  }
0x6f: {  	v3 =	vld [tilespmem:s30+$0xFFFFFF40];
	[tilespmem:s28+$0x150] =	vst v4  }
0x70: {  	v4 =	vld [tilespmem:s30+$0xFFFFFF50];
	[tilespmem:s28+$0x160] =	vst v5  }
0x71: {  	v5 =	vld [tilespmem:s30+$0xFFFFFF60]  }
0x72: {  	v7 =	vld [tilespmem:s30+$0xFFFFFF70]  }
0x73: {  	v6 =	vld.idx.msk [tilespmem:v6+s21+$0x0], $0xffff  }
0x74: {  	v8 =	vld [tilespmem:s30+$0xFFFFFF80]  }
0x75: {  	v9 =	vld [tilespmem:s30+$0xFFFFFF90]  }
0x76: {  	v10 =	vld [tilespmem:s30+$0xFFFFFFA0]  }
0x77: {  	v11 =	vld [tilespmem:s30+$0xFFFFFFB0]  }
0x78: {  	s28 =	sadd.s32 $0x400, s28;
	v12 =	vld [tilespmem:s30+$0xFFFFFFC0]  }
0x79: {  	v13 =	vld [tilespmem:s30+$0xFFFFFFD0];
	[tilespmem:s28+$0x170] =	vst v6  }
0x7a: {  	v6 =	vld [tilespmem:s30+$0xFFFFFFE0]  }
0x7b: {  	v14 =	vld [tilespmem:s30+$0xFFFFFFF0]  }
0x7c: {  	v15 =	vld [tilespmem:s30+$0x0]  }
0x7d: {  	v16 =	vld [tilespmem:s30+$0x10]  }
0x7e: {  	v17 =	vld [tilespmem:s30+$0x20]  }
0x7f: {  	v18 =	vld [tilespmem:s30+$0x30]  }
0x80: {  	v19 =	vld [tilespmem:s30+$0x40]  }
0x81: {  	v20 =	vld [tilespmem:s30+$0x50]  }
0x82: {  	v21 =	vld [tilespmem:s30+$0x60]  }
0x83: {  	v22 =	vld [tilespmem:s30+$0x70]  }
0x84: {  	v23 =	vld [tilespmem:s30+$0x80]  }
0x85: {  	v24 =	vld [tilespmem:s30+$0x90]  }
0x86: {  	v25 =	vld [tilespmem:s30+$0xA0]  }
0x87: {  	v26 =	vld [tilespmem:s30+$0xB0]  }
0x88: {  	v27 =	vld [tilespmem:s30+$0xC0]  }
0x89: {  	v28 =	vld [tilespmem:s30+$0xD0]  }
0x8a: {  	v29 =	vld [tilespmem:s30+$0xE0]  }
0x8b: {  	v30 =	vld [tilespmem:s30+$0xFFFFFF00]  }
0x8c: {  	v0 =	vld.idx.msk [tilespmem:v0+s21+$0x0], $0xffff  }
0x8d: {  	v1 =	vld.idx.msk [tilespmem:v1+s21+$0x0], $0xffff  }
0x8e: {  	v2 =	vld.idx.msk [tilespmem:v2+s21+$0x0], $0xffff  }
0x8f: {  	v3 =	vld.idx.msk [tilespmem:v3+s21+$0x0], $0xffff  }
0x90: {  	v4 =	vld.idx.msk [tilespmem:v4+s21+$0x0], $0xffff  }
0x91: {  	v5 =	vld.idx.msk [tilespmem:v5+s21+$0x0], $0xffff  }
0x92: {  	[tilespmem:s28+$0xFFFFFE10] =	vst v0;
	v0 =	vld.idx.msk [tilespmem:v7+s21+$0x0], $0xffff  }
0x93: {  	v7 =	vld.idx.msk [tilespmem:v30+s21+$0x0], $0xffff;
	[tilespmem:s28+$0xFFFFFE20] =	vst v1  }
0x94: {  	[tilespmem:s28+$0xFFFFFE30] =	vst v2;
	v1 =	vld.idx.msk [tilespmem:v8+s21+$0x0], $0xffff  }
0x95: {  	[tilespmem:s28+$0xFFFFFE40] =	vst v3;
	v2 =	vld.idx.msk [tilespmem:v9+s21+$0x0], $0xffff  }
0x96: {  	[tilespmem:s28+$0xFFFFFE50] =	vst v4;
	v3 =	vld.idx.msk [tilespmem:v10+s21+$0x0], $0xffff  }
0x97: {  	[tilespmem:s28+$0xFFFFFE60] =	vst v5;
	v4 =	vld.idx.msk [tilespmem:v11+s21+$0x0], $0xffff  }
0x98: {  	[tilespmem:s28+$0xFFFFFE70] =	vst v0;
	v0 =	vld.idx.msk [tilespmem:v12+s21+$0x0], $0xffff  }
0x99: {  	[tilespmem:s28+$0xFFFFFE00] =	vst v7;
	v5 =	vld.idx.msk [tilespmem:v13+s21+$0x0], $0xffff  }
0x9a: {  	[tilespmem:s28+$0xFFFFFF00] =	vst v1;
	v1 =	vld.idx.msk [tilespmem:v6+s21+$0x0], $0xffff  }
0x9b: {  	[tilespmem:s28+$0xFFFFFF10] =	vst v2;
	v2 =	vld.idx.msk [tilespmem:v14+s21+$0x0], $0xffff  }
0x9c: {  	[tilespmem:s28+$0xFFFFFF20] =	vst v3;
	v3 =	vld.idx.msk [tilespmem:v15+s21+$0x0], $0xffff  }
0x9d: {  	[tilespmem:s28+$0xFFFFFF30] =	vst v4;
	v4 =	vld.idx.msk [tilespmem:v16+s21+$0x0], $0xffff  }
0x9e: {  	[tilespmem:s28+$0xFFFFFF40] =	vst v0;
	v0 =	vld.idx.msk [tilespmem:v17+s21+$0x0], $0xffff  }
0x9f: {  	[tilespmem:s28+$0xFFFFFF50] =	vst v5;
	v5 =	vld.idx.msk [tilespmem:v18+s21+$0x0], $0xffff  }
0xa0: {  	[tilespmem:s28+$0xFFFFFF60] =	vst v1;
	v1 =	vld.idx.msk [tilespmem:v19+s21+$0x0], $0xffff  }
0xa1: {  	[tilespmem:s28+$0xFFFFFF70] =	vst v2;
	v2 =	vld.idx.msk [tilespmem:v20+s21+$0x0], $0xffff  }
0xa2: {  	[tilespmem:s28+$0x0] =	vst v3;
	v3 =	vld.idx.msk [tilespmem:v21+s21+$0x0], $0xffff  }
0xa3: {  	[tilespmem:s28+$0x10] =	vst v4;
	v4 =	vld.idx.msk [tilespmem:v22+s21+$0x0], $0xffff  }
0xa4: {  	[tilespmem:s28+$0x20] =	vst v0;
	v6 =	vld.idx.msk [tilespmem:v23+s21+$0x0], $0xffff  }
0xa5: {  	[tilespmem:s28+$0x30] =	vst v5;
	v0 =	vld.idx.msk [tilespmem:v24+s21+$0x0], $0xffff  }
.Ltmp5:
0xa6: {  	[tilespmem:s28+$0x40] =	vst v1;
	v1 =	vld.idx.msk [tilespmem:v25+s21+$0x0], $0xffff;
	(pc) =	sbr.rel @p0 .LBB2_4-.Ltmp5, $4  }
0xa7: {  	[tilespmem:s28+$0x50] =	vst v2;
	v2 =	vld.idx.msk [tilespmem:v26+s21+$0x0], $0xffff  }
0xa8: {  	[tilespmem:s28+$0x60] =	vst v3;
	v3 =	vld.idx.msk [tilespmem:v27+s21+$0x0], $0xffff  }
0xa9: {  	[tilespmem:s28+$0x70] =	vst v4;
	v4 =	vld.idx.msk [tilespmem:v28+s21+$0x0], $0xffff  }
0xaa: {  	s30 =	sadd.s32 $0x200, s30;
	[tilespmem:s28+$0x100] =	vst v6;
	v5 =	vld.idx.msk [tilespmem:v29+s21+$0x0], $0xffff  }
0xab: {  	[tilespmem:s28+$0x110] =	vst v0  }
0xac: {  	[tilespmem:s28+$0x120] =	vst v1  }
0xad: {  	s0 =	sshll.u32 s26, $0x11;
	[tilespmem:s28+$0x130] =	vst v2  }
0xae: {  	s0 =	sor.u32 s10, s0;
	[tilespmem:s28+$0x140] =	vst v3  }
0xaf: {  	s26 =	sshrl.u32 s0, $0x3;
	[tilespmem:s28+$0x150] =	vst v4  }
0xb0: {  	s29 =	simm.s32 $0x1C700;
	s0 =	simm.s32 $0x0;
	[tilespmem:s28+$0x160] =	vst v5;
	s28 =	sadd.s32 s7, s26  }
.LBB2_6:
0xb1: {  	p0 =	sne.s32 s0, $0xF80  }
.Ltmp6:
0xb2: {  	_ = 	snop;
	(pc) =	sbr.rel @p0 .LBB2_6-.Ltmp6, $4  }
0xb3: {  	_ = 	snop  }
0xb4: {  	s30 =	sadd.s32 s0, s28  }
0xb5: {  	[hbm4b:s30+s6] =	stream.linear.scatter [tilespmem:s29], [sflag:$0x2], $0x80, $0x38;
	[tilespmem:$0x1E700] =	vst v63  }
0xb6: {  	s0 =	sadd.s32 $0x80, s0;
	s29 =	sadd.s32 $0x100, s29  }
0xb7: {  	s0 =	simm.s32 $0x11F0  }
0xb8: {  	v0 =	vld [tilespmem:s0+$0x0]  }
0xb9: {  	v1 =	vld [tilespmem:s0+$0xFFFFFE20]  }
0xba: {  	v2 =	vld [tilespmem:s0+$0xFFFFFE30]  }
0xbb: {  	v3 =	vld [tilespmem:s0+$0xFFFFFE40]  }
0xbc: {  	v4 =	vld [tilespmem:s0+$0xFFFFFE50]  }
0xbd: {  	v5 =	vld [tilespmem:s0+$0xFFFFFE60]  }
0xbe: {  	v6 =	vld [tilespmem:s0+$0xFFFFFE70]  }
0xbf: {  	v7 =	vld [tilespmem:s0+$0xFFFFFE80]  }
0xc0: {  	v8 =	vld [tilespmem:s0+$0xFFFFFE90]  }
0xc1: {  	v9 =	vld [tilespmem:s0+$0xFFFFFEA0]  }
0xc2: {  	v10 =	vld [tilespmem:s0+$0xFFFFFEB0]  }
0xc3: {  	v11 =	vld [tilespmem:s0+$0xFFFFFEC0]  }
0xc4: {  	v12 =	vld [tilespmem:s0+$0xFFFFFED0]  }
0xc5: {  	v13 =	vld [tilespmem:s0+$0xFFFFFEE0]  }
0xc6: {  	v14 =	vld [tilespmem:s0+$0xFFFFFEF0]  }
0xc7: {  	v15 =	vld [tilespmem:s0+$0xFFFFFF00]  }
0xc8: {  	v16 =	vld [tilespmem:s0+$0xFFFFFF10]  }
0xc9: {  	v17 =	vld [tilespmem:s0+$0xFFFFFF20]  }
0xca: {  	v18 =	vld [tilespmem:s0+$0xFFFFFF30]  }
0xcb: {  	v19 =	vld [tilespmem:s0+$0xFFFFFF40]  }
0xcc: {  	v20 =	vld [tilespmem:s0+$0xFFFFFF50]  }
0xcd: {  	v21 =	vld [tilespmem:s0+$0xFFFFFF60]  }
0xce: {  	v22 =	vld [tilespmem:s0+$0xFFFFFF70]  }
0xcf: {  	v23 =	vld [tilespmem:s0+$0xFFFFFF80]  }
0xd0: {  	v24 =	vld [tilespmem:s0+$0xFFFFFF90]  }
0xd1: {  	v25 =	vld [tilespmem:s0+$0xFFFFFFA0]  }
0xd2: {  	v26 =	vld [tilespmem:s0+$0xFFFFFFB0]  }
0xd3: {  	v27 =	vld [tilespmem:s0+$0xFFFFFFC0]  }
0xd4: {  	v28 =	vld [tilespmem:s0+$0xFFFFFFD0]  }
0xd5: {  	v29 =	vld [tilespmem:s0+$0xFFFFFFE0]  }
0xd6: {  	v30 =	vld [tilespmem:s0+$0xFFFFFFF0]  }
0xd7: {  	v31 =	vld [tilespmem:s0+$0xFFFFFE10]  }
0xd8: {  	v0 =	vld.idx.msk [tilespmem:v0+s21+$0x0], $0xffff  }
0xd9: {  	v1 =	vld.idx.msk [tilespmem:v1+s21+$0x0], $0xffff  }
0xda: {  	v2 =	vld.idx.msk [tilespmem:v2+s21+$0x0], $0xffff  }
0xdb: {  	v3 =	vld.idx.msk [tilespmem:v3+s21+$0x0], $0xffff  }
0xdc: {  	v4 =	vld.idx.msk [tilespmem:v4+s21+$0x0], $0xffff  }
0xdd: {  	s28 =	simm.s32 $0x1C980;
	v5 =	vld.idx.msk [tilespmem:v5+s21+$0x0], $0xffff  }
0xde: {  	[tilespmem:s28+$0x170] =	vst v0;
	v0 =	vld.idx.msk [tilespmem:v6+s21+$0x0], $0xffff  }
0xdf: {  	[tilespmem:s28+$0xFFFFFE10] =	vst v1;
	v1 =	vld.idx.msk [tilespmem:v7+s21+$0x0], $0xffff  }
0xe0: {  	v6 =	vld.idx.msk [tilespmem:v31+s21+$0x0], $0xffff;
	[tilespmem:s28+$0xFFFFFE20] =	vst v2  }
0xe1: {  	[tilespmem:s28+$0xFFFFFE30] =	vst v3;
	v2 =	vld.idx.msk [tilespmem:v8+s21+$0x0], $0xffff  }
0xe2: {  	[tilespmem:s28+$0xFFFFFE40] =	vst v4;
	v3 =	vld.idx.msk [tilespmem:v9+s21+$0x0], $0xffff  }
0xe3: {  	[tilespmem:s28+$0xFFFFFE50] =	vst v5;
	v4 =	vld.idx.msk [tilespmem:v10+s21+$0x0], $0xffff  }
0xe4: {  	v5 =	vld.idx.msk [tilespmem:v13+s21+$0x0], $0xffff;
	[tilespmem:s28+$0xFFFFFE60] =	vst v0  }
0xe5: {  	v7 =	vld.idx.msk [tilespmem:v24+s21+$0x0], $0xffff;
	[tilespmem:s28+$0xFFFFFE70] =	vst v1  }
0xe6: {  	v0 =	vld.idx.msk [tilespmem:v11+s21+$0x0], $0xffff;
	[tilespmem:s28+$0xFFFFFE00] =	vst v6  }
0xe7: {  	v1 =	vld.idx.msk [tilespmem:v12+s21+$0x0], $0xffff;
	[tilespmem:s28+$0xFFFFFF00] =	vst v2  }
0xe8: {  	v2 =	vld.idx.msk [tilespmem:v14+s21+$0x0], $0xffff;
	[tilespmem:s28+$0xFFFFFF10] =	vst v3  }
0xe9: {  	v3 =	vld.idx.msk [tilespmem:v15+s21+$0x0], $0xffff;
	[tilespmem:s28+$0xFFFFFF20] =	vst v4  }
0xea: {  	v4 =	vld.idx.msk [tilespmem:v16+s21+$0x0], $0xffff;
	[tilespmem:s28+$0xFFFFFF50] =	vst v5  }
0xeb: {  	v5 =	vld.idx.msk [tilespmem:v19+s21+$0x0], $0xffff;
	[tilespmem:s28+$0x100] =	vst v7  }
0xec: {  	v6 =	vld.idx.msk [tilespmem:v23+s21+$0x0], $0xffff;
	[tilespmem:s28+$0xFFFFFF30] =	vst v0  }
0xed: {  	v0 =	vld.idx.msk [tilespmem:v17+s21+$0x0], $0xffff;
	[tilespmem:s28+$0xFFFFFF40] =	vst v1  }
0xee: {  	v1 =	vld.idx.msk [tilespmem:v18+s21+$0x0], $0xffff;
	[tilespmem:s28+$0xFFFFFF60] =	vst v2  }
0xef: {  	v2 =	vld.idx.msk [tilespmem:v20+s21+$0x0], $0xffff;
	[tilespmem:s28+$0xFFFFFF70] =	vst v3  }
0xf0: {  	v3 =	vld.idx.msk [tilespmem:v21+s21+$0x0], $0xffff;
	[tilespmem:s28+$0x0] =	vst v4  }
0xf1: {  	v4 =	vld.idx.msk [tilespmem:v22+s21+$0x0], $0xffff;
	[tilespmem:s28+$0x30] =	vst v5  }
0xf2: {  	[tilespmem:s28+$0x70] =	vst v6;
	v5 =	vld.idx.msk [tilespmem:v30+s21+$0x0], $0xffff  }
0xf3: {  	[tilespmem:s28+$0x10] =	vst v0;
	v0 =	vld.idx.msk [tilespmem:v25+s21+$0x0], $0xffff  }
0xf4: {  	[tilespmem:s28+$0x20] =	vst v1;
	v1 =	vld.idx.msk [tilespmem:v26+s21+$0x0], $0xffff  }
0xf5: {  	[tilespmem:s28+$0x40] =	vst v2;
	v2 =	vld.idx.msk [tilespmem:v27+s21+$0x0], $0xffff  }
0xf6: {  	[tilespmem:s28+$0x50] =	vst v3;
	v3 =	vld.idx.msk [tilespmem:v28+s21+$0x0], $0xffff  }
0xf7: {  	s29 =	simm.s32 $0x0;
	s30 =	simm.s32 $0x13F0;
	[tilespmem:s28+$0x60] =	vst v4;
	v4 =	vld.idx.msk [tilespmem:v29+s21+$0x0], $0xffff  }
.LBB2_8:
0xf8: {  	v6 =	vld [tilespmem:s30+$0x0];
	s29 =	sadd.s32 $0x20, s29;
	[tilespmem:s28+$0x110] =	vst v0  }
0xf9: {  	v0 =	vld [tilespmem:s30+$0xFFFFFE20];
	p0 =	slt.u32 s29, $0xE0;
	[tilespmem:s28+$0x120] =	vst v1  }
0xfa: {  	v1 =	vld [tilespmem:s30+$0xFFFFFE30];
	[tilespmem:s28+$0x130] =	vst v2  }
0xfb: {  	v2 =	vld [tilespmem:s30+$0xFFFFFE40];
	[tilespmem:s28+$0x140] =	vst v3  }
0xfc: {  	v3 =	vld [tilespmem:s30+$0xFFFFFE50];
	[tilespmem:s28+$0x150] =	vst v4  }
0xfd: {  	v4 =	vld [tilespmem:s30+$0xFFFFFE60];
	[tilespmem:s28+$0x160] =	vst v5  }
0xfe: {  	v5 =	vld [tilespmem:s30+$0xFFFFFE70]  }
0xff: {  	v7 =	vld [tilespmem:s30+$0xFFFFFE80]  }
0x100: {  	v6 =	vld.idx.msk [tilespmem:v6+s21+$0x0], $0xffff  }
0x101: {  	v8 =	vld [tilespmem:s30+$0xFFFFFE90]  }
0x102: {  	v9 =	vld [tilespmem:s30+$0xFFFFFEA0]  }
0x103: {  	v10 =	vld [tilespmem:s30+$0xFFFFFEB0]  }
0x104: {  	v11 =	vld [tilespmem:s30+$0xFFFFFEC0]  }
0x105: {  	s28 =	sadd.s32 $0x400, s28;
	v12 =	vld [tilespmem:s30+$0xFFFFFED0]  }
0x106: {  	v13 =	vld [tilespmem:s30+$0xFFFFFEE0];
	[tilespmem:s28+$0x170] =	vst v6  }
0x107: {  	v6 =	vld [tilespmem:s30+$0xFFFFFEF0]  }
0x108: {  	v14 =	vld [tilespmem:s30+$0xFFFFFF00]  }
0x109: {  	v15 =	vld [tilespmem:s30+$0xFFFFFF10]  }
0x10a: {  	v16 =	vld [tilespmem:s30+$0xFFFFFF20]  }
0x10b: {  	v17 =	vld [tilespmem:s30+$0xFFFFFF30]  }
0x10c: {  	v18 =	vld [tilespmem:s30+$0xFFFFFF40]  }
0x10d: {  	v19 =	vld [tilespmem:s30+$0xFFFFFF50]  }
0x10e: {  	v20 =	vld [tilespmem:s30+$0xFFFFFF60]  }
0x10f: {  	v21 =	vld [tilespmem:s30+$0xFFFFFF70]  }
0x110: {  	v22 =	vld [tilespmem:s30+$0xFFFFFF80]  }
0x111: {  	v23 =	vld [tilespmem:s30+$0xFFFFFF90]  }
0x112: {  	v24 =	vld [tilespmem:s30+$0xFFFFFFA0]  }
0x113: {  	v25 =	vld [tilespmem:s30+$0xFFFFFFB0]  }
0x114: {  	v26 =	vld [tilespmem:s30+$0xFFFFFFC0]  }
0x115: {  	v27 =	vld [tilespmem:s30+$0xFFFFFFD0]  }
0x116: {  	v28 =	vld [tilespmem:s30+$0xFFFFFFE0]  }
0x117: {  	v29 =	vld [tilespmem:s30+$0xFFFFFFF0]  }
0x118: {  	v30 =	vld [tilespmem:s30+$0xFFFFFE10]  }
0x119: {  	v0 =	vld.idx.msk [tilespmem:v0+s21+$0x0], $0xffff  }
0x11a: {  	v1 =	vld.idx.msk [tilespmem:v1+s21+$0x0], $0xffff  }
0x11b: {  	v2 =	vld.idx.msk [tilespmem:v2+s21+$0x0], $0xffff  }
0x11c: {  	v3 =	vld.idx.msk [tilespmem:v3+s21+$0x0], $0xffff  }
0x11d: {  	v4 =	vld.idx.msk [tilespmem:v4+s21+$0x0], $0xffff  }
0x11e: {  	v5 =	vld.idx.msk [tilespmem:v5+s21+$0x0], $0xffff  }
0x11f: {  	[tilespmem:s28+$0xFFFFFE10] =	vst v0;
	v0 =	vld.idx.msk [tilespmem:v7+s21+$0x0], $0xffff  }
0x120: {  	v7 =	vld.idx.msk [tilespmem:v30+s21+$0x0], $0xffff;
	[tilespmem:s28+$0xFFFFFE20] =	vst v1  }
0x121: {  	[tilespmem:s28+$0xFFFFFE30] =	vst v2;
	v1 =	vld.idx.msk [tilespmem:v8+s21+$0x0], $0xffff  }
0x122: {  	[tilespmem:s28+$0xFFFFFE40] =	vst v3;
	v2 =	vld.idx.msk [tilespmem:v9+s21+$0x0], $0xffff  }
0x123: {  	[tilespmem:s28+$0xFFFFFE50] =	vst v4;
	v3 =	vld.idx.msk [tilespmem:v10+s21+$0x0], $0xffff  }
0x124: {  	[tilespmem:s28+$0xFFFFFE60] =	vst v5;
	v4 =	vld.idx.msk [tilespmem:v11+s21+$0x0], $0xffff  }
0x125: {  	[tilespmem:s28+$0xFFFFFE70] =	vst v0;
	v0 =	vld.idx.msk [tilespmem:v12+s21+$0x0], $0xffff  }
0x126: {  	[tilespmem:s28+$0xFFFFFE00] =	vst v7;
	v5 =	vld.idx.msk [tilespmem:v13+s21+$0x0], $0xffff  }
0x127: {  	[tilespmem:s28+$0xFFFFFF00] =	vst v1;
	v1 =	vld.idx.msk [tilespmem:v6+s21+$0x0], $0xffff  }
0x128: {  	[tilespmem:s28+$0xFFFFFF10] =	vst v2;
	v2 =	vld.idx.msk [tilespmem:v14+s21+$0x0], $0xffff  }
0x129: {  	[tilespmem:s28+$0xFFFFFF20] =	vst v3;
	v3 =	vld.idx.msk [tilespmem:v15+s21+$0x0], $0xffff  }
0x12a: {  	[tilespmem:s28+$0xFFFFFF30] =	vst v4;
	v4 =	vld.idx.msk [tilespmem:v16+s21+$0x0], $0xffff  }
0x12b: {  	[tilespmem:s28+$0xFFFFFF40] =	vst v0;
	v0 =	vld.idx.msk [tilespmem:v17+s21+$0x0], $0xffff  }
0x12c: {  	[tilespmem:s28+$0xFFFFFF50] =	vst v5;
	v5 =	vld.idx.msk [tilespmem:v18+s21+$0x0], $0xffff  }
0x12d: {  	[tilespmem:s28+$0xFFFFFF60] =	vst v1;
	v1 =	vld.idx.msk [tilespmem:v19+s21+$0x0], $0xffff  }
0x12e: {  	[tilespmem:s28+$0xFFFFFF70] =	vst v2;
	v2 =	vld.idx.msk [tilespmem:v20+s21+$0x0], $0xffff  }
0x12f: {  	[tilespmem:s28+$0x0] =	vst v3;
	v3 =	vld.idx.msk [tilespmem:v21+s21+$0x0], $0xffff  }
0x130: {  	[tilespmem:s28+$0x10] =	vst v4;
	v4 =	vld.idx.msk [tilespmem:v22+s21+$0x0], $0xffff  }
0x131: {  	[tilespmem:s28+$0x20] =	vst v0;
	v6 =	vld.idx.msk [tilespmem:v23+s21+$0x0], $0xffff  }
0x132: {  	[tilespmem:s28+$0x30] =	vst v5;
	v0 =	vld.idx.msk [tilespmem:v24+s21+$0x0], $0xffff  }
.Ltmp7:
0x133: {  	[tilespmem:s28+$0x40] =	vst v1;
	v1 =	vld.idx.msk [tilespmem:v25+s21+$0x0], $0xffff;
	(pc) =	sbr.rel @p0 .LBB2_8-.Ltmp7, $4  }
0x134: {  	[tilespmem:s28+$0x50] =	vst v2;
	v2 =	vld.idx.msk [tilespmem:v26+s21+$0x0], $0xffff  }
0x135: {  	[tilespmem:s28+$0x60] =	vst v3;
	v3 =	vld.idx.msk [tilespmem:v27+s21+$0x0], $0xffff  }
0x136: {  	[tilespmem:s28+$0x70] =	vst v4;
	v4 =	vld.idx.msk [tilespmem:v28+s21+$0x0], $0xffff  }
0x137: {  	s30 =	sadd.s32 $0x200, s30;
	[tilespmem:s28+$0x100] =	vst v6;
	v5 =	vld.idx.msk [tilespmem:v29+s21+$0x0], $0xffff  }
0x138: {  	[tilespmem:s28+$0x110] =	vst v0  }
0x139: {  	[tilespmem:s28+$0x120] =	vst v1  }
0x13a: {  	[tilespmem:s28+$0x130] =	vst v2  }
0x13b: {  	[tilespmem:s28+$0x140] =	vst v3  }
0x13c: {  	s29 =	sadd.s32 s26, s11;
	s30 =	simm.s32 $0x1C780;
	[tilespmem:s28+$0x150] =	vst v4  }
0x13d: {  	s31 =	simm.s32 $0x1C880;
	s0 =	sadd.s32 $0x0, s29;
	[tilespmem:s28+$0x160] =	vst v5;
	s28 =	simm.s32 $0x80  }
.LBB2_10:
0x13e: {  	[hbm4b:s0+s6] =	stream.linear.scatter [tilespmem:s30], [sflag:$0x2], $0x80, $0x38;
	[tilespmem:$0x1E700] =	vst v63  }
0x13f: {  	s0 =	smov.u32 s28;
	s30 =	smov.u32 s31;
	p0 =	sne.s32 s28, $0xF80  }
.Ltmp8:
0x140: {  	s28 =	sadd.s32 $0x80, s28;
	(pc) =	sbr.rel @p0 .LBB2_10-.Ltmp8, $2  }
0x141: {  	_ =	sdelay $0x2  }
0x142: {  	s31 =	sadd.s32 $0x100, s31;
	s0 =	sadd.s32 s0, s29  }
0x143: {  	[hbm4b:s0+s6] =	stream.linear.scatter [tilespmem:s30], [sflag:$0x2], $0x80, $0x38;
	[tilespmem:$0x1E700] =	vst v63  }
0x144: {  	_ =	swait.ge [sflag:s23], $0x1000  }
0x145: {  	[sflag:s23] =	ssyncset.done $0x0  }
0x146: {  	s31 =	simm.s32 $0x21F0;
	[sflag:s23] =	ssyncadd.s32 $0xFFFFF000  }
0x147: {  	v0 =	vld [tilespmem:s31+$0x0]  }
0x148: {  	v1 =	vld [tilespmem:s31+$0xFFFFFE20]  }
0x149: {  	v2 =	vld [tilespmem:s31+$0xFFFFFE30]  }
0x14a: {  	v3 =	vld [tilespmem:s31+$0xFFFFFE40]  }
0x14b: {  	v4 =	vld [tilespmem:s31+$0xFFFFFE50]  }
0x14c: {  	v5 =	vld [tilespmem:s31+$0xFFFFFE60]  }
0x14d: {  	v6 =	vld [tilespmem:s31+$0xFFFFFE70]  }
0x14e: {  	v7 =	vld [tilespmem:s31+$0xFFFFFE80]  }
0x14f: {  	v8 =	vld [tilespmem:s31+$0xFFFFFE90]  }
0x150: {  	v9 =	vld [tilespmem:s31+$0xFFFFFEA0]  }
0x151: {  	v10 =	vld [tilespmem:s31+$0xFFFFFEB0]  }
0x152: {  	v11 =	vld [tilespmem:s31+$0xFFFFFEC0]  }
0x153: {  	v12 =	vld [tilespmem:s31+$0xFFFFFED0]  }
0x154: {  	v13 =	vld [tilespmem:s31+$0xFFFFFEE0]  }
0x155: {  	v14 =	vld [tilespmem:s31+$0xFFFFFEF0]  }
0x156: {  	v15 =	vld [tilespmem:s31+$0xFFFFFF00]  }
0x157: {  	v16 =	vld [tilespmem:s31+$0xFFFFFF10]  }
0x158: {  	v17 =	vld [tilespmem:s31+$0xFFFFFF20]  }
0x159: {  	v18 =	vld [tilespmem:s31+$0xFFFFFF30]  }
0x15a: {  	v19 =	vld [tilespmem:s31+$0xFFFFFF40]  }
0x15b: {  	v20 =	vld [tilespmem:s31+$0xFFFFFF50]  }
0x15c: {  	v21 =	vld [tilespmem:s31+$0xFFFFFF60]  }
0x15d: {  	v22 =	vld [tilespmem:s31+$0xFFFFFF70]  }
0x15e: {  	v23 =	vld [tilespmem:s31+$0xFFFFFF80]  }
0x15f: {  	v24 =	vld [tilespmem:s31+$0xFFFFFF90]  }
0x160: {  	v25 =	vld [tilespmem:s31+$0xFFFFFFA0]  }
0x161: {  	v26 =	vld [tilespmem:s31+$0xFFFFFFB0]  }
0x162: {  	v27 =	vld [tilespmem:s31+$0xFFFFFFC0]  }
0x163: {  	v28 =	vld [tilespmem:s31+$0xFFFFFFD0]  }
0x164: {  	v29 =	vld [tilespmem:s31+$0xFFFFFFE0]  }
0x165: {  	v30 =	vld [tilespmem:s31+$0xFFFFFFF0]  }
0x166: {  	v31 =	vld [tilespmem:s31+$0xFFFFFE10]  }
0x167: {  	v0 =	vld.idx.msk [tilespmem:v0+s21+$0x0], $0xffff  }
0x168: {  	v1 =	vld.idx.msk [tilespmem:v1+s21+$0x0], $0xffff  }
0x169: {  	v2 =	vld.idx.msk [tilespmem:v2+s21+$0x0], $0xffff  }
0x16a: {  	v3 =	vld.idx.msk [tilespmem:v3+s21+$0x0], $0xffff  }
0x16b: {  	v4 =	vld.idx.msk [tilespmem:v4+s21+$0x0], $0xffff  }
0x16c: {  	s28 =	simm.s32 $0x1C900;
	v5 =	vld.idx.msk [tilespmem:v5+s21+$0x0], $0xffff  }
0x16d: {  	[tilespmem:s28+$0x170] =	vst v0;
	v0 =	vld.idx.msk [tilespmem:v6+s21+$0x0], $0xffff  }
0x16e: {  	[tilespmem:s28+$0xFFFFFE10] =	vst v1;
	v1 =	vld.idx.msk [tilespmem:v7+s21+$0x0], $0xffff  }
0x16f: {  	v6 =	vld.idx.msk [tilespmem:v31+s21+$0x0], $0xffff;
	[tilespmem:s28+$0xFFFFFE20] =	vst v2  }
0x170: {  	[tilespmem:s28+$0xFFFFFE30] =	vst v3;
	v2 =	vld.idx.msk [tilespmem:v8+s21+$0x0], $0xffff  }
0x171: {  	[tilespmem:s28+$0xFFFFFE40] =	vst v4;
	v3 =	vld.idx.msk [tilespmem:v9+s21+$0x0], $0xffff  }
0x172: {  	[tilespmem:s28+$0xFFFFFE50] =	vst v5;
	v4 =	vld.idx.msk [tilespmem:v10+s21+$0x0], $0xffff  }
0x173: {  	v5 =	vld.idx.msk [tilespmem:v13+s21+$0x0], $0xffff;
	[tilespmem:s28+$0xFFFFFE60] =	vst v0  }
0x174: {  	v7 =	vld.idx.msk [tilespmem:v24+s21+$0x0], $0xffff;
	[tilespmem:s28+$0xFFFFFE70] =	vst v1  }
0x175: {  	v0 =	vld.idx.msk [tilespmem:v11+s21+$0x0], $0xffff;
	[tilespmem:s28+$0xFFFFFE00] =	vst v6  }
0x176: {  	v1 =	vld.idx.msk [tilespmem:v12+s21+$0x0], $0xffff;
	[tilespmem:s28+$0xFFFFFF00] =	vst v2  }
0x177: {  	v2 =	vld.idx.msk [tilespmem:v14+s21+$0x0], $0xffff;
	[tilespmem:s28+$0xFFFFFF10] =	vst v3  }
0x178: {  	v3 =	vld.idx.msk [tilespmem:v15+s21+$0x0], $0xffff;
	[tilespmem:s28+$0xFFFFFF20] =	vst v4  }
0x179: {  	v4 =	vld.idx.msk [tilespmem:v16+s21+$0x0], $0xffff;
	[tilespmem:s28+$0xFFFFFF50] =	vst v5  }
0x17a: {  	v5 =	vld.idx.msk [tilespmem:v19+s21+$0x0], $0xffff;
	[tilespmem:s28+$0x100] =	vst v7  }
0x17b: {  	v6 =	vld.idx.msk [tilespmem:v23+s21+$0x0], $0xffff;
	[tilespmem:s28+$0xFFFFFF30] =	vst v0  }
0x17c: {  	v0 =	vld.idx.msk [tilespmem:v17+s21+$0x0], $0xffff;
	[tilespmem:s28+$0xFFFFFF40] =	vst v1  }
0x17d: {  	v1 =	vld.idx.msk [tilespmem:v18+s21+$0x0], $0xffff;
	[tilespmem:s28+$0xFFFFFF60] =	vst v2  }
0x17e: {  	v2 =	vld.idx.msk [tilespmem:v20+s21+$0x0], $0xffff;
	[tilespmem:s28+$0xFFFFFF70] =	vst v3  }
0x17f: {  	v3 =	vld.idx.msk [tilespmem:v21+s21+$0x0], $0xffff;
	[tilespmem:s28+$0x0] =	vst v4  }
0x180: {  	v4 =	vld.idx.msk [tilespmem:v22+s21+$0x0], $0xffff;
	[tilespmem:s28+$0x30] =	vst v5  }
0x181: {  	[tilespmem:s28+$0x70] =	vst v6;
	v5 =	vld.idx.msk [tilespmem:v30+s21+$0x0], $0xffff  }
0x182: {  	[tilespmem:s28+$0x10] =	vst v0;
	v0 =	vld.idx.msk [tilespmem:v25+s21+$0x0], $0xffff  }
0x183: {  	[tilespmem:s28+$0x20] =	vst v1;
	v1 =	vld.idx.msk [tilespmem:v26+s21+$0x0], $0xffff  }
0x184: {  	[tilespmem:s28+$0x40] =	vst v2;
	v2 =	vld.idx.msk [tilespmem:v27+s21+$0x0], $0xffff  }
0x185: {  	[tilespmem:s28+$0x50] =	vst v3;
	v3 =	vld.idx.msk [tilespmem:v28+s21+$0x0], $0xffff  }
0x186: {  	s29 =	simm.s32 $0x0;
	s30 =	simm.s32 $0x23F0;
	[tilespmem:s28+$0x60] =	vst v4;
	v4 =	vld.idx.msk [tilespmem:v29+s21+$0x0], $0xffff  }
.LBB2_12:
0x187: {  	v6 =	vld [tilespmem:s30+$0x0];
	s29 =	sadd.s32 $0x20, s29;
	[tilespmem:s28+$0x110] =	vst v0  }
0x188: {  	v0 =	vld [tilespmem:s30+$0xFFFFFE20];
	p0 =	slt.u32 s29, $0xE0;
	[tilespmem:s28+$0x120] =	vst v1  }
0x189: {  	v1 =	vld [tilespmem:s30+$0xFFFFFE30];
	[tilespmem:s28+$0x130] =	vst v2  }
0x18a: {  	v2 =	vld [tilespmem:s30+$0xFFFFFE40];
	[tilespmem:s28+$0x140] =	vst v3  }
0x18b: {  	v3 =	vld [tilespmem:s30+$0xFFFFFE50];
	[tilespmem:s28+$0x150] =	vst v4  }
0x18c: {  	v4 =	vld [tilespmem:s30+$0xFFFFFE60];
	[tilespmem:s28+$0x160] =	vst v5  }
0x18d: {  	v5 =	vld [tilespmem:s30+$0xFFFFFE70]  }
0x18e: {  	v7 =	vld [tilespmem:s30+$0xFFFFFE80]  }
0x18f: {  	v6 =	vld.idx.msk [tilespmem:v6+s21+$0x0], $0xffff  }
0x190: {  	v8 =	vld [tilespmem:s30+$0xFFFFFE90]  }
0x191: {  	v9 =	vld [tilespmem:s30+$0xFFFFFEA0]  }
0x192: {  	v10 =	vld [tilespmem:s30+$0xFFFFFEB0]  }
0x193: {  	v11 =	vld [tilespmem:s30+$0xFFFFFEC0]  }
0x194: {  	s28 =	sadd.s32 $0x400, s28;
	v12 =	vld [tilespmem:s30+$0xFFFFFED0]  }
0x195: {  	v13 =	vld [tilespmem:s30+$0xFFFFFEE0];
	[tilespmem:s28+$0x170] =	vst v6  }
0x196: {  	v6 =	vld [tilespmem:s30+$0xFFFFFEF0]  }
0x197: {  	v14 =	vld [tilespmem:s30+$0xFFFFFF00]  }
0x198: {  	v15 =	vld [tilespmem:s30+$0xFFFFFF10]  }
0x199: {  	v16 =	vld [tilespmem:s30+$0xFFFFFF20]  }
0x19a: {  	v17 =	vld [tilespmem:s30+$0xFFFFFF30]  }
0x19b: {  	v18 =	vld [tilespmem:s30+$0xFFFFFF40]  }
0x19c: {  	v19 =	vld [tilespmem:s30+$0xFFFFFF50]  }
0x19d: {  	v20 =	vld [tilespmem:s30+$0xFFFFFF60]  }
0x19e: {  	v21 =	vld [tilespmem:s30+$0xFFFFFF70]  }
0x19f: {  	v22 =	vld [tilespmem:s30+$0xFFFFFF80]  }
0x1a0: {  	v23 =	vld [tilespmem:s30+$0xFFFFFF90]  }
0x1a1: {  	v24 =	vld [tilespmem:s30+$0xFFFFFFA0]  }
0x1a2: {  	v25 =	vld [tilespmem:s30+$0xFFFFFFB0]  }
0x1a3: {  	v26 =	vld [tilespmem:s30+$0xFFFFFFC0]  }
0x1a4: {  	v27 =	vld [tilespmem:s30+$0xFFFFFFD0]  }
0x1a5: {  	v28 =	vld [tilespmem:s30+$0xFFFFFFE0]  }
0x1a6: {  	v29 =	vld [tilespmem:s30+$0xFFFFFFF0]  }
0x1a7: {  	v30 =	vld [tilespmem:s30+$0xFFFFFE10]  }
0x1a8: {  	v0 =	vld.idx.msk [tilespmem:v0+s21+$0x0], $0xffff  }
0x1a9: {  	v1 =	vld.idx.msk [tilespmem:v1+s21+$0x0], $0xffff  }
0x1aa: {  	v2 =	vld.idx.msk [tilespmem:v2+s21+$0x0], $0xffff  }
0x1ab: {  	v3 =	vld.idx.msk [tilespmem:v3+s21+$0x0], $0xffff  }
0x1ac: {  	v4 =	vld.idx.msk [tilespmem:v4+s21+$0x0], $0xffff  }
0x1ad: {  	v5 =	vld.idx.msk [tilespmem:v5+s21+$0x0], $0xffff  }
0x1ae: {  	[tilespmem:s28+$0xFFFFFE10] =	vst v0;
	v0 =	vld.idx.msk [tilespmem:v7+s21+$0x0], $0xffff  }
0x1af: {  	v7 =	vld.idx.msk [tilespmem:v30+s21+$0x0], $0xffff;
	[tilespmem:s28+$0xFFFFFE20] =	vst v1  }
0x1b0: {  	[tilespmem:s28+$0xFFFFFE30] =	vst v2;
	v1 =	vld.idx.msk [tilespmem:v8+s21+$0x0], $0xffff  }
0x1b1: {  	[tilespmem:s28+$0xFFFFFE40] =	vst v3;
	v2 =	vld.idx.msk [tilespmem:v9+s21+$0x0], $0xffff  }
0x1b2: {  	[tilespmem:s28+$0xFFFFFE50] =	vst v4;
	v3 =	vld.idx.msk [tilespmem:v10+s21+$0x0], $0xffff  }
0x1b3: {  	[tilespmem:s28+$0xFFFFFE60] =	vst v5;
	v4 =	vld.idx.msk [tilespmem:v11+s21+$0x0], $0xffff  }
0x1b4: {  	[tilespmem:s28+$0xFFFFFE70] =	vst v0;
	v0 =	vld.idx.msk [tilespmem:v12+s21+$0x0], $0xffff  }
0x1b5: {  	[tilespmem:s28+$0xFFFFFE00] =	vst v7;
	v5 =	vld.idx.msk [tilespmem:v13+s21+$0x0], $0xffff  }
0x1b6: {  	[tilespmem:s28+$0xFFFFFF00] =	vst v1;
	v1 =	vld.idx.msk [tilespmem:v6+s21+$0x0], $0xffff  }
0x1b7: {  	[tilespmem:s28+$0xFFFFFF10] =	vst v2;
	v2 =	vld.idx.msk [tilespmem:v14+s21+$0x0], $0xffff  }
0x1b8: {  	[tilespmem:s28+$0xFFFFFF20] =	vst v3;
	v3 =	vld.idx.msk [tilespmem:v15+s21+$0x0], $0xffff  }
0x1b9: {  	[tilespmem:s28+$0xFFFFFF30] =	vst v4;
	v4 =	vld.idx.msk [tilespmem:v16+s21+$0x0], $0xffff  }
0x1ba: {  	[tilespmem:s28+$0xFFFFFF40] =	vst v0;
	v0 =	vld.idx.msk [tilespmem:v17+s21+$0x0], $0xffff  }
0x1bb: {  	[tilespmem:s28+$0xFFFFFF50] =	vst v5;
	v5 =	vld.idx.msk [tilespmem:v18+s21+$0x0], $0xffff  }
0x1bc: {  	[tilespmem:s28+$0xFFFFFF60] =	vst v1;
	v1 =	vld.idx.msk [tilespmem:v19+s21+$0x0], $0xffff  }
0x1bd: {  	[tilespmem:s28+$0xFFFFFF70] =	vst v2;
	v2 =	vld.idx.msk [tilespmem:v20+s21+$0x0], $0xffff  }
0x1be: {  	[tilespmem:s28+$0x0] =	vst v3;
	v3 =	vld.idx.msk [tilespmem:v21+s21+$0x0], $0xffff  }
0x1bf: {  	[tilespmem:s28+$0x10] =	vst v4;
	v4 =	vld.idx.msk [tilespmem:v22+s21+$0x0], $0xffff  }
0x1c0: {  	[tilespmem:s28+$0x20] =	vst v0;
	v6 =	vld.idx.msk [tilespmem:v23+s21+$0x0], $0xffff  }
0x1c1: {  	[tilespmem:s28+$0x30] =	vst v5;
	v0 =	vld.idx.msk [tilespmem:v24+s21+$0x0], $0xffff  }
.Ltmp9:
0x1c2: {  	[tilespmem:s28+$0x40] =	vst v1;
	v1 =	vld.idx.msk [tilespmem:v25+s21+$0x0], $0xffff;
	(pc) =	sbr.rel @p0 .LBB2_12-.Ltmp9, $4  }
0x1c3: {  	[tilespmem:s28+$0x50] =	vst v2;
	v2 =	vld.idx.msk [tilespmem:v26+s21+$0x0], $0xffff  }
0x1c4: {  	[tilespmem:s28+$0x60] =	vst v3;
	v3 =	vld.idx.msk [tilespmem:v27+s21+$0x0], $0xffff  }
0x1c5: {  	[tilespmem:s28+$0x70] =	vst v4;
	v4 =	vld.idx.msk [tilespmem:v28+s21+$0x0], $0xffff  }
0x1c6: {  	s30 =	sadd.s32 $0x200, s30;
	[tilespmem:s28+$0x100] =	vst v6;
	v5 =	vld.idx.msk [tilespmem:v29+s21+$0x0], $0xffff  }
0x1c7: {  	[tilespmem:s28+$0x110] =	vst v0  }
0x1c8: {  	[tilespmem:s28+$0x120] =	vst v1  }
0x1c9: {  	[tilespmem:s28+$0x130] =	vst v2  }
0x1ca: {  	[tilespmem:s28+$0x140] =	vst v3  }
0x1cb: {  	s29 =	sadd.s32 s26, s12;
	s30 =	simm.s32 $0x1C700;
	[tilespmem:s28+$0x150] =	vst v4  }
0x1cc: {  	s31 =	simm.s32 $0x1C800;
	s0 =	sadd.s32 $0x0, s29;
	[tilespmem:s28+$0x160] =	vst v5;
	s28 =	simm.s32 $0x80  }
.LBB2_14:
0x1cd: {  	[hbm4b:s0+s6] =	stream.linear.scatter [tilespmem:s30], [sflag:$0x2], $0x80, $0x38;
	[tilespmem:$0x1E700] =	vst v63  }
0x1ce: {  	s0 =	smov.u32 s28;
	s30 =	smov.u32 s31;
	p0 =	sne.s32 s28, $0xF80  }
.Ltmp10:
0x1cf: {  	s28 =	sadd.s32 $0x80, s28;
	(pc) =	sbr.rel @p0 .LBB2_14-.Ltmp10, $2  }
0x1d0: {  	_ =	sdelay $0x2  }
0x1d1: {  	s31 =	sadd.s32 $0x100, s31;
	s0 =	sadd.s32 s0, s29  }
0x1d2: {  	[hbm4b:s0+s6] =	stream.linear.scatter [tilespmem:s30], [sflag:$0x2], $0x80, $0x38;
	[tilespmem:$0x1E700] =	vst v63  }
0x1d3: {  	_ =	swait.ge [sflag:s23], $0x1000  }
0x1d4: {  	[sflag:s23] =	ssyncset.done $0x0  }
0x1d5: {  	s31 =	simm.s32 $0x31F0;
	[sflag:s23] =	ssyncadd.s32 $0xFFFFF000  }
0x1d6: {  	v0 =	vld [tilespmem:s31+$0x0]  }
0x1d7: {  	v1 =	vld [tilespmem:s31+$0xFFFFFE20]  }
0x1d8: {  	v2 =	vld [tilespmem:s31+$0xFFFFFE30]  }
0x1d9: {  	v3 =	vld [tilespmem:s31+$0xFFFFFE40]  }
0x1da: {  	v4 =	vld [tilespmem:s31+$0xFFFFFE50]  }
0x1db: {  	v5 =	vld [tilespmem:s31+$0xFFFFFE60]  }
0x1dc: {  	v6 =	vld [tilespmem:s31+$0xFFFFFE70]  }
0x1dd: {  	v7 =	vld [tilespmem:s31+$0xFFFFFE80]  }
0x1de: {  	v8 =	vld [tilespmem:s31+$0xFFFFFE90]  }
0x1df: {  	v9 =	vld [tilespmem:s31+$0xFFFFFEA0]  }
0x1e0: {  	v10 =	vld [tilespmem:s31+$0xFFFFFEB0]  }
0x1e1: {  	v11 =	vld [tilespmem:s31+$0xFFFFFEC0]  }
0x1e2: {  	v12 =	vld [tilespmem:s31+$0xFFFFFED0]  }
0x1e3: {  	v13 =	vld [tilespmem:s31+$0xFFFFFEE0]  }
0x1e4: {  	v14 =	vld [tilespmem:s31+$0xFFFFFEF0]  }
0x1e5: {  	v15 =	vld [tilespmem:s31+$0xFFFFFF00]  }
0x1e6: {  	v16 =	vld [tilespmem:s31+$0xFFFFFF10]  }
0x1e7: {  	v17 =	vld [tilespmem:s31+$0xFFFFFF20]  }
0x1e8: {  	v18 =	vld [tilespmem:s31+$0xFFFFFF30]  }
0x1e9: {  	v19 =	vld [tilespmem:s31+$0xFFFFFF40]  }
0x1ea: {  	v20 =	vld [tilespmem:s31+$0xFFFFFF50]  }
0x1eb: {  	v21 =	vld [tilespmem:s31+$0xFFFFFF60]  }
0x1ec: {  	v22 =	vld [tilespmem:s31+$0xFFFFFF70]  }
0x1ed: {  	v23 =	vld [tilespmem:s31+$0xFFFFFF80]  }
0x1ee: {  	v24 =	vld [tilespmem:s31+$0xFFFFFF90]  }
0x1ef: {  	v25 =	vld [tilespmem:s31+$0xFFFFFFA0]  }
0x1f0: {  	v26 =	vld [tilespmem:s31+$0xFFFFFFB0]  }
0x1f1: {  	v27 =	vld [tilespmem:s31+$0xFFFFFFC0]  }
0x1f2: {  	v28 =	vld [tilespmem:s31+$0xFFFFFFD0]  }
0x1f3: {  	v29 =	vld [tilespmem:s31+$0xFFFFFFE0]  }
0x1f4: {  	v30 =	vld [tilespmem:s31+$0xFFFFFFF0]  }
0x1f5: {  	v31 =	vld [tilespmem:s31+$0xFFFFFE10]  }
0x1f6: {  	v0 =	vld.idx.msk [tilespmem:v0+s21+$0x0], $0xffff  }
0x1f7: {  	v1 =	vld.idx.msk [tilespmem:v1+s21+$0x0], $0xffff  }
0x1f8: {  	v2 =	vld.idx.msk [tilespmem:v2+s21+$0x0], $0xffff  }
0x1f9: {  	v3 =	vld.idx.msk [tilespmem:v3+s21+$0x0], $0xffff  }
0x1fa: {  	v4 =	vld.idx.msk [tilespmem:v4+s21+$0x0], $0xffff  }
0x1fb: {  	s28 =	simm.s32 $0x1C980;
	v5 =	vld.idx.msk [tilespmem:v5+s21+$0x0], $0xffff  }
0x1fc: {  	[tilespmem:s28+$0x170] =	vst v0;
	v0 =	vld.idx.msk [tilespmem:v6+s21+$0x0], $0xffff  }
0x1fd: {  	[tilespmem:s28+$0xFFFFFE10] =	vst v1;
	v1 =	vld.idx.msk [tilespmem:v7+s21+$0x0], $0xffff  }
0x1fe: {  	v6 =	vld.idx.msk [tilespmem:v31+s21+$0x0], $0xffff;
	[tilespmem:s28+$0xFFFFFE20] =	vst v2  }
0x1ff: {  	[tilespmem:s28+$0xFFFFFE30] =	vst v3;
	v2 =	vld.idx.msk [tilespmem:v8+s21+$0x0], $0xffff  }
0x200: {  	[tilespmem:s28+$0xFFFFFE40] =	vst v4;
	v3 =	vld.idx.msk [tilespmem:v9+s21+$0x0], $0xffff  }
0x201: {  	[tilespmem:s28+$0xFFFFFE50] =	vst v5;
	v4 =	vld.idx.msk [tilespmem:v10+s21+$0x0], $0xffff  }
0x202: {  	v5 =	vld.idx.msk [tilespmem:v13+s21+$0x0], $0xffff;
	[tilespmem:s28+$0xFFFFFE60] =	vst v0  }
0x203: {  	v7 =	vld.idx.msk [tilespmem:v24+s21+$0x0], $0xffff;
	[tilespmem:s28+$0xFFFFFE70] =	vst v1  }
0x204: {  	v0 =	vld.idx.msk [tilespmem:v11+s21+$0x0], $0xffff;
	[tilespmem:s28+$0xFFFFFE00] =	vst v6  }
0x205: {  	v1 =	vld.idx.msk [tilespmem:v12+s21+$0x0], $0xffff;
	[tilespmem:s28+$0xFFFFFF00] =	vst v2  }
0x206: {  	v2 =	vld.idx.msk [tilespmem:v14+s21+$0x0], $0xffff;
	[tilespmem:s28+$0xFFFFFF10] =	vst v3  }
0x207: {  	v3 =	vld.idx.msk [tilespmem:v15+s21+$0x0], $0xffff;
	[tilespmem:s28+$0xFFFFFF20] =	vst v4  }
0x208: {  	v4 =	vld.idx.msk [tilespmem:v16+s21+$0x0], $0xffff;
	[tilespmem:s28+$0xFFFFFF50] =	vst v5  }
0x209: {  	v5 =	vld.idx.msk [tilespmem:v19+s21+$0x0], $0xffff;
	[tilespmem:s28+$0x100] =	vst v7  }
0x20a: {  	v6 =	vld.idx.msk [tilespmem:v23+s21+$0x0], $0xffff;
	[tilespmem:s28+$0xFFFFFF30] =	vst v0  }
0x20b: {  	v0 =	vld.idx.msk [tilespmem:v17+s21+$0x0], $0xffff;
	[tilespmem:s28+$0xFFFFFF40] =	vst v1  }
0x20c: {  	v1 =	vld.idx.msk [tilespmem:v18+s21+$0x0], $0xffff;
	[tilespmem:s28+$0xFFFFFF60] =	vst v2  }
0x20d: {  	v2 =	vld.idx.msk [tilespmem:v20+s21+$0x0], $0xffff;
	[tilespmem:s28+$0xFFFFFF70] =	vst v3  }
0x20e: {  	v3 =	vld.idx.msk [tilespmem:v21+s21+$0x0], $0xffff;
	[tilespmem:s28+$0x0] =	vst v4  }
0x20f: {  	v4 =	vld.idx.msk [tilespmem:v22+s21+$0x0], $0xffff;
	[tilespmem:s28+$0x30] =	vst v5  }
0x210: {  	[tilespmem:s28+$0x70] =	vst v6;
	v5 =	vld.idx.msk [tilespmem:v30+s21+$0x0], $0xffff  }
0x211: {  	[tilespmem:s28+$0x10] =	vst v0;
	v0 =	vld.idx.msk [tilespmem:v25+s21+$0x0], $0xffff  }
0x212: {  	[tilespmem:s28+$0x20] =	vst v1;
	v1 =	vld.idx.msk [tilespmem:v26+s21+$0x0], $0xffff  }
0x213: {  	[tilespmem:s28+$0x40] =	vst v2;
	v2 =	vld.idx.msk [tilespmem:v27+s21+$0x0], $0xffff  }
0x214: {  	[tilespmem:s28+$0x50] =	vst v3;
	v3 =	vld.idx.msk [tilespmem:v28+s21+$0x0], $0xffff  }
0x215: {  	s29 =	simm.s32 $0x0;
	s30 =	simm.s32 $0x33F0;
	[tilespmem:s28+$0x60] =	vst v4;
	v4 =	vld.idx.msk [tilespmem:v29+s21+$0x0], $0xffff  }
.LBB2_16:
0x216: {  	v6 =	vld [tilespmem:s30+$0x0];
	s29 =	sadd.s32 $0x20, s29;
	[tilespmem:s28+$0x110] =	vst v0  }
0x217: {  	v0 =	vld [tilespmem:s30+$0xFFFFFE20];
	p0 =	slt.u32 s29, $0xE0;
	[tilespmem:s28+$0x120] =	vst v1  }
0x218: {  	v1 =	vld [tilespmem:s30+$0xFFFFFE30];
	[tilespmem:s28+$0x130] =	vst v2  }
0x219: {  	v2 =	vld [tilespmem:s30+$0xFFFFFE40];
	[tilespmem:s28+$0x140] =	vst v3  }
0x21a: {  	v3 =	vld [tilespmem:s30+$0xFFFFFE50];
	[tilespmem:s28+$0x150] =	vst v4  }
0x21b: {  	v4 =	vld [tilespmem:s30+$0xFFFFFE60];
	[tilespmem:s28+$0x160] =	vst v5  }
0x21c: {  	v5 =	vld [tilespmem:s30+$0xFFFFFE70]  }
0x21d: {  	v7 =	vld [tilespmem:s30+$0xFFFFFE80]  }
0x21e: {  	v6 =	vld.idx.msk [tilespmem:v6+s21+$0x0], $0xffff  }
0x21f: {  	v8 =	vld [tilespmem:s30+$0xFFFFFE90]  }
0x220: {  	v9 =	vld [tilespmem:s30+$0xFFFFFEA0]  }
0x221: {  	v10 =	vld [tilespmem:s30+$0xFFFFFEB0]  }
0x222: {  	v11 =	vld [tilespmem:s30+$0xFFFFFEC0]  }
0x223: {  	s28 =	sadd.s32 $0x400, s28;
	v12 =	vld [tilespmem:s30+$0xFFFFFED0]  }
0x224: {  	v13 =	vld [tilespmem:s30+$0xFFFFFEE0];
	[tilespmem:s28+$0x170] =	vst v6  }
0x225: {  	v6 =	vld [tilespmem:s30+$0xFFFFFEF0]  }
0x226: {  	v14 =	vld [tilespmem:s30+$0xFFFFFF00]  }
0x227: {  	v15 =	vld [tilespmem:s30+$0xFFFFFF10]  }
0x228: {  	v16 =	vld [tilespmem:s30+$0xFFFFFF20]  }
0x229: {  	v17 =	vld [tilespmem:s30+$0xFFFFFF30]  }
0x22a: {  	v18 =	vld [tilespmem:s30+$0xFFFFFF40]  }
0x22b: {  	v19 =	vld [tilespmem:s30+$0xFFFFFF50]  }
0x22c: {  	v20 =	vld [tilespmem:s30+$0xFFFFFF60]  }
0x22d: {  	v21 =	vld [tilespmem:s30+$0xFFFFFF70]  }
0x22e: {  	v22 =	vld [tilespmem:s30+$0xFFFFFF80]  }
0x22f: {  	v23 =	vld [tilespmem:s30+$0xFFFFFF90]  }
0x230: {  	v24 =	vld [tilespmem:s30+$0xFFFFFFA0]  }
0x231: {  	v25 =	vld [tilespmem:s30+$0xFFFFFFB0]  }
0x232: {  	v26 =	vld [tilespmem:s30+$0xFFFFFFC0]  }
0x233: {  	v27 =	vld [tilespmem:s30+$0xFFFFFFD0]  }
0x234: {  	v28 =	vld [tilespmem:s30+$0xFFFFFFE0]  }
0x235: {  	v29 =	vld [tilespmem:s30+$0xFFFFFFF0]  }
0x236: {  	v30 =	vld [tilespmem:s30+$0xFFFFFE10]  }
0x237: {  	v0 =	vld.idx.msk [tilespmem:v0+s21+$0x0], $0xffff  }
0x238: {  	v1 =	vld.idx.msk [tilespmem:v1+s21+$0x0], $0xffff  }
0x239: {  	v2 =	vld.idx.msk [tilespmem:v2+s21+$0x0], $0xffff  }
0x23a: {  	v3 =	vld.idx.msk [tilespmem:v3+s21+$0x0], $0xffff  }
0x23b: {  	v4 =	vld.idx.msk [tilespmem:v4+s21+$0x0], $0xffff  }
0x23c: {  	v5 =	vld.idx.msk [tilespmem:v5+s21+$0x0], $0xffff  }
0x23d: {  	[tilespmem:s28+$0xFFFFFE10] =	vst v0;
	v0 =	vld.idx.msk [tilespmem:v7+s21+$0x0], $0xffff  }
0x23e: {  	v7 =	vld.idx.msk [tilespmem:v30+s21+$0x0], $0xffff;
	[tilespmem:s28+$0xFFFFFE20] =	vst v1  }
0x23f: {  	[tilespmem:s28+$0xFFFFFE30] =	vst v2;
	v1 =	vld.idx.msk [tilespmem:v8+s21+$0x0], $0xffff  }
0x240: {  	[tilespmem:s28+$0xFFFFFE40] =	vst v3;
	v2 =	vld.idx.msk [tilespmem:v9+s21+$0x0], $0xffff  }
0x241: {  	[tilespmem:s28+$0xFFFFFE50] =	vst v4;
	v3 =	vld.idx.msk [tilespmem:v10+s21+$0x0], $0xffff  }
0x242: {  	[tilespmem:s28+$0xFFFFFE60] =	vst v5;
	v4 =	vld.idx.msk [tilespmem:v11+s21+$0x0], $0xffff  }
0x243: {  	[tilespmem:s28+$0xFFFFFE70] =	vst v0;
	v0 =	vld.idx.msk [tilespmem:v12+s21+$0x0], $0xffff  }
0x244: {  	[tilespmem:s28+$0xFFFFFE00] =	vst v7;
	v5 =	vld.idx.msk [tilespmem:v13+s21+$0x0], $0xffff  }
0x245: {  	[tilespmem:s28+$0xFFFFFF00] =	vst v1;
	v1 =	vld.idx.msk [tilespmem:v6+s21+$0x0], $0xffff  }
0x246: {  	[tilespmem:s28+$0xFFFFFF10] =	vst v2;
	v2 =	vld.idx.msk [tilespmem:v14+s21+$0x0], $0xffff  }
0x247: {  	[tilespmem:s28+$0xFFFFFF20] =	vst v3;
	v3 =	vld.idx.msk [tilespmem:v15+s21+$0x0], $0xffff  }
0x248: {  	[tilespmem:s28+$0xFFFFFF30] =	vst v4;
	v4 =	vld.idx.msk [tilespmem:v16+s21+$0x0], $0xffff  }
0x249: {  	[tilespmem:s28+$0xFFFFFF40] =	vst v0;
	v0 =	vld.idx.msk [tilespmem:v17+s21+$0x0], $0xffff  }
0x24a: {  	[tilespmem:s28+$0xFFFFFF50] =	vst v5;
	v5 =	vld.idx.msk [tilespmem:v18+s21+$0x0], $0xffff  }
0x24b: {  	[tilespmem:s28+$0xFFFFFF60] =	vst v1;
	v1 =	vld.idx.msk [tilespmem:v19+s21+$0x0], $0xffff  }
0x24c: {  	[tilespmem:s28+$0xFFFFFF70] =	vst v2;
	v2 =	vld.idx.msk [tilespmem:v20+s21+$0x0], $0xffff  }
0x24d: {  	[tilespmem:s28+$0x0] =	vst v3;
	v3 =	vld.idx.msk [tilespmem:v21+s21+$0x0], $0xffff  }
0x24e: {  	[tilespmem:s28+$0x10] =	vst v4;
	v4 =	vld.idx.msk [tilespmem:v22+s21+$0x0], $0xffff  }
0x24f: {  	[tilespmem:s28+$0x20] =	vst v0;
	v6 =	vld.idx.msk [tilespmem:v23+s21+$0x0], $0xffff  }
0x250: {  	[tilespmem:s28+$0x30] =	vst v5;
	v0 =	vld.idx.msk [tilespmem:v24+s21+$0x0], $0xffff  }
.Ltmp11:
0x251: {  	[tilespmem:s28+$0x40] =	vst v1;
	v1 =	vld.idx.msk [tilespmem:v25+s21+$0x0], $0xffff;
	(pc) =	sbr.rel @p0 .LBB2_16-.Ltmp11, $4  }
0x252: {  	[tilespmem:s28+$0x50] =	vst v2;
	v2 =	vld.idx.msk [tilespmem:v26+s21+$0x0], $0xffff  }
0x253: {  	[tilespmem:s28+$0x60] =	vst v3;
	v3 =	vld.idx.msk [tilespmem:v27+s21+$0x0], $0xffff  }
0x254: {  	[tilespmem:s28+$0x70] =	vst v4;
	v4 =	vld.idx.msk [tilespmem:v28+s21+$0x0], $0xffff  }
0x255: {  	s30 =	sadd.s32 $0x200, s30;
	[tilespmem:s28+$0x100] =	vst v6;
	v5 =	vld.idx.msk [tilespmem:v29+s21+$0x0], $0xffff  }
0x256: {  	[tilespmem:s28+$0x110] =	vst v0  }
0x257: {  	[tilespmem:s28+$0x120] =	vst v1  }
0x258: {  	[tilespmem:s28+$0x130] =	vst v2  }
0x259: {  	[tilespmem:s28+$0x140] =	vst v3  }
0x25a: {  	s26 =	sadd.s32 s26, s13;
	s29 =	simm.s32 $0x1C780;
	[tilespmem:s28+$0x150] =	vst v4  }
0x25b: {  	s30 =	simm.s32 $0x1C880;
	s0 =	sadd.s32 $0x0, s26;
	[tilespmem:s28+$0x160] =	vst v5;
	s28 =	simm.s32 $0x80  }
.LBB2_18:
0x25c: {  	[hbm4b:s0+s6] =	stream.linear.scatter [tilespmem:s29], [sflag:$0x2], $0x80, $0x38;
	[tilespmem:$0x1E700] =	vst v63  }
0x25d: {  	s0 =	smov.u32 s28;
	s29 =	smov.u32 s30;
	p0 =	sne.s32 s28, $0xF80  }
.Ltmp12:
0x25e: {  	s28 =	sadd.s32 $0x80, s28;
	(pc) =	sbr.rel @p0 .LBB2_18-.Ltmp12, $2  }
0x25f: {  	_ =	sdelay $0x2  }
0x260: {  	s30 =	sadd.s32 $0x100, s30;
	s0 =	sadd.s32 s0, s26  }
0x261: {  	[hbm4b:s0+s6] =	stream.linear.scatter [tilespmem:s29], [sflag:$0x2], $0x80, $0x38;
	[tilespmem:$0x1E700] =	vst v63  }
0x262: {  	_ =	swait.ge [sflag:s23], $0x1000  }
.Ltmp13:
0x263: {  	[sflag:s23] =	ssyncset.done $0x0;
	(pc) =	sbr.rel .LBB2_20-.Ltmp13, $4  }
0x264: {  	[sflag:s23] =	ssyncadd.s32 $0xFFFFF000  }
0x265: {  	_ =	swait.ge [sflag:s23], $0x1000  }
0x266: {  	[sflag:s23] =	ssyncset.done $0x0  }
0x267: {  	[sflag:s23] =	ssyncadd.s32 $0xFFFFF000  }
.LBB2_21:
.Ltmp14:
0x268: {  	s25 =	simm.s32 $0x0;
	(pc) =	sbr.rel .LBB2_22-.Ltmp14, $4  }
0x269: {  	[tilespmem:s25], [sflag:$0x3] =	stream.linear.gather [hbm4b:s2+s25], $0x4000, $0x38;
	[tilespmem:$0x1E700] =	vst v63  }
0x26a: {  	_ =	swait.ge [sflag:s18], $0x4000  }
0x26b: {  	[sflag:s18] =	ssyncset.done $0x0  }
0x26c: {  	[sflag:s18] =	ssyncadd.s32 $0xFFFFC000  }
.LBB2_40:
0x26d: {  	s25 =	sadd.s32 $0x1, s25  }
0x26e: {  	p0 =	sne.s32 s25, $0x10  }
.Ltmp15:
0x26f: {  	_ = 	snop;
	(pc) =	sbr.rel @!p0 .LBB2_41-.Ltmp15, $1  }
0x270: {  	_ =	sdelay $0x3  }
.LBB2_22:
0x271: {  	s0 =	sshll.u32 s25, $0x5  }
0x272: {  	s0 =	sor.u32 s8, s0  }
0x273: {  	p0 =	sgt.u32 s0, $0x1F3  }
.Ltmp16:
0x274: {  	_ = 	snop;
	(pc) =	sbr.rel @p0 .LBB2_40-.Ltmp16, $1  }
0x275: {  	_ =	sdelay $0x3  }
0x276: {  	s26 =	sshrl.u32 s0, $0x3  }
0x277: {  	s0 =	smul.u32 $0xC3800, s26;
	_ =	sdelay $0x1  }
0x278: {  	s0 =	sor.u32 s10, s0  }
0x279: {  	s0 =	sshrl.u32 s0, $0x3  }
0x27a: {  	s0 =	sadd.s32 s4, s0  }
0x27b: {  	[tilespmem:s21], [sflag:$0x1] =	stream.strided.gather [hbm4b:s0+s19], $0x18700, s20, s19, $0x38;
	[tilespmem:$0x1E700] =	vst v63  }
0x27c: {  	_ =	swait.ge [sflag:s22], $0x18700  }
0x27d: {  	[sflag:s22] =	ssyncset.done $0x0  }
0x27e: {  	s31 =	simm.s32 $0x100;
	[sflag:s22] =	ssyncadd.s32 $0xFFFE7900  }
0x27f: {  	v0 =	vld [tilespmem:s31+$0xF0]  }
0x280: {  	v1 =	vld [tilespmem:s31+$0xFFFFFF10]  }
0x281: {  	v2 =	vld [tilespmem:s31+$0xFFFFFF20]  }
0x282: {  	v3 =	vld [tilespmem:s31+$0xFFFFFF30]  }
0x283: {  	v4 =	vld [tilespmem:s31+$0xFFFFFF40]  }
0x284: {  	v5 =	vld [tilespmem:s31+$0xFFFFFF50]  }
0x285: {  	v6 =	vld [tilespmem:s31+$0xFFFFFF60]  }
0x286: {  	v7 =	vld [tilespmem:s31+$0xFFFFFF70]  }
0x287: {  	v8 =	vld [tilespmem:s31+$0xFFFFFF80]  }
0x288: {  	v9 =	vld [tilespmem:s31+$0xFFFFFF90]  }
0x289: {  	v10 =	vld [tilespmem:s31+$0xFFFFFFA0]  }
0x28a: {  	v11 =	vld [tilespmem:s31+$0xFFFFFFB0]  }
0x28b: {  	v12 =	vld [tilespmem:s31+$0xFFFFFFC0]  }
0x28c: {  	v13 =	vld [tilespmem:s31+$0xFFFFFFD0]  }
0x28d: {  	v14 =	vld [tilespmem:s31+$0xFFFFFFE0]  }
0x28e: {  	v15 =	vld [tilespmem:s31+$0xFFFFFFF0]  }
0x28f: {  	v16 =	vld [tilespmem:s31+$0x0]  }
0x290: {  	v17 =	vld [tilespmem:s31+$0x10]  }
0x291: {  	v18 =	vld [tilespmem:s31+$0x20]  }
0x292: {  	v19 =	vld [tilespmem:s31+$0x30]  }
0x293: {  	v20 =	vld [tilespmem:s31+$0x40]  }
0x294: {  	v21 =	vld [tilespmem:s31+$0x50]  }
0x295: {  	v22 =	vld [tilespmem:s31+$0x60]  }
0x296: {  	v23 =	vld [tilespmem:s31+$0x70]  }
0x297: {  	v24 =	vld [tilespmem:s31+$0x80]  }
0x298: {  	v25 =	vld [tilespmem:s31+$0x90]  }
0x299: {  	v26 =	vld [tilespmem:s31+$0xA0]  }
0x29a: {  	v27 =	vld [tilespmem:s31+$0xB0]  }
0x29b: {  	v28 =	vld [tilespmem:s31+$0xC0]  }
0x29c: {  	v29 =	vld [tilespmem:s31+$0xD0]  }
0x29d: {  	v30 =	vld [tilespmem:s31+$0xE0]  }
0x29e: {  	v31 =	vld [tilespmem:s31+$0xFFFFFF00]  }
0x29f: {  	v0 =	vld.idx.msk [tilespmem:v0+s21+$0x0], $0xffff  }
0x2a0: {  	v1 =	vld.idx.msk [tilespmem:v1+s21+$0x0], $0xffff  }
0x2a1: {  	v2 =	vld.idx.msk [tilespmem:v2+s21+$0x0], $0xffff  }
0x2a2: {  	v3 =	vld.idx.msk [tilespmem:v3+s21+$0x0], $0xffff  }
0x2a3: {  	v4 =	vld.idx.msk [tilespmem:v4+s21+$0x0], $0xffff  }
0x2a4: {  	s28 =	simm.s32 $0x1C900;
	v5 =	vld.idx.msk [tilespmem:v5+s21+$0x0], $0xffff  }
0x2a5: {  	[tilespmem:s28+$0x170] =	vst v0;
	v0 =	vld.idx.msk [tilespmem:v6+s21+$0x0], $0xffff  }
0x2a6: {  	[tilespmem:s28+$0xFFFFFE10] =	vst v1;
	v1 =	vld.idx.msk [tilespmem:v7+s21+$0x0], $0xffff  }
0x2a7: {  	v6 =	vld.idx.msk [tilespmem:v31+s21+$0x0], $0xffff;
	[tilespmem:s28+$0xFFFFFE20] =	vst v2  }
0x2a8: {  	[tilespmem:s28+$0xFFFFFE30] =	vst v3;
	v2 =	vld.idx.msk [tilespmem:v8+s21+$0x0], $0xffff  }
0x2a9: {  	[tilespmem:s28+$0xFFFFFE40] =	vst v4;
	v3 =	vld.idx.msk [tilespmem:v9+s21+$0x0], $0xffff  }
0x2aa: {  	[tilespmem:s28+$0xFFFFFE50] =	vst v5;
	v4 =	vld.idx.msk [tilespmem:v10+s21+$0x0], $0xffff  }
0x2ab: {  	v5 =	vld.idx.msk [tilespmem:v13+s21+$0x0], $0xffff;
	[tilespmem:s28+$0xFFFFFE60] =	vst v0  }
0x2ac: {  	v7 =	vld.idx.msk [tilespmem:v24+s21+$0x0], $0xffff;
	[tilespmem:s28+$0xFFFFFE70] =	vst v1  }
0x2ad: {  	v0 =	vld.idx.msk [tilespmem:v11+s21+$0x0], $0xffff;
	[tilespmem:s28+$0xFFFFFE00] =	vst v6  }
0x2ae: {  	v1 =	vld.idx.msk [tilespmem:v12+s21+$0x0], $0xffff;
	[tilespmem:s28+$0xFFFFFF00] =	vst v2  }
0x2af: {  	v2 =	vld.idx.msk [tilespmem:v14+s21+$0x0], $0xffff;
	[tilespmem:s28+$0xFFFFFF10] =	vst v3  }
0x2b0: {  	v3 =	vld.idx.msk [tilespmem:v15+s21+$0x0], $0xffff;
	[tilespmem:s28+$0xFFFFFF20] =	vst v4  }
0x2b1: {  	v4 =	vld.idx.msk [tilespmem:v16+s21+$0x0], $0xffff;
	[tilespmem:s28+$0xFFFFFF50] =	vst v5  }
0x2b2: {  	v5 =	vld.idx.msk [tilespmem:v19+s21+$0x0], $0xffff;
	[tilespmem:s28+$0x100] =	vst v7  }
0x2b3: {  	v6 =	vld.idx.msk [tilespmem:v23+s21+$0x0], $0xffff;
	[tilespmem:s28+$0xFFFFFF30] =	vst v0  }
0x2b4: {  	v0 =	vld.idx.msk [tilespmem:v17+s21+$0x0], $0xffff;
	[tilespmem:s28+$0xFFFFFF40] =	vst v1  }
0x2b5: {  	v1 =	vld.idx.msk [tilespmem:v18+s21+$0x0], $0xffff;
	[tilespmem:s28+$0xFFFFFF60] =	vst v2  }
0x2b6: {  	v2 =	vld.idx.msk [tilespmem:v20+s21+$0x0], $0xffff;
	[tilespmem:s28+$0xFFFFFF70] =	vst v3  }
0x2b7: {  	v3 =	vld.idx.msk [tilespmem:v21+s21+$0x0], $0xffff;
	[tilespmem:s28+$0x0] =	vst v4  }
0x2b8: {  	v4 =	vld.idx.msk [tilespmem:v22+s21+$0x0], $0xffff;
	[tilespmem:s28+$0x30] =	vst v5  }
0x2b9: {  	[tilespmem:s28+$0x70] =	vst v6;
	v5 =	vld.idx.msk [tilespmem:v30+s21+$0x0], $0xffff  }
0x2ba: {  	[tilespmem:s28+$0x10] =	vst v0;
	v0 =	vld.idx.msk [tilespmem:v25+s21+$0x0], $0xffff  }
0x2bb: {  	[tilespmem:s28+$0x20] =	vst v1;
	v1 =	vld.idx.msk [tilespmem:v26+s21+$0x0], $0xffff  }
0x2bc: {  	[tilespmem:s28+$0x40] =	vst v2;
	v2 =	vld.idx.msk [tilespmem:v27+s21+$0x0], $0xffff  }
0x2bd: {  	[tilespmem:s28+$0x50] =	vst v3;
	v3 =	vld.idx.msk [tilespmem:v28+s21+$0x0], $0xffff  }
0x2be: {  	s29 =	simm.s32 $0x0;
	s30 =	simm.s32 $0x300;
	[tilespmem:s28+$0x60] =	vst v4;
	v4 =	vld.idx.msk [tilespmem:v29+s21+$0x0], $0xffff  }
.LBB2_24:
0x2bf: {  	v6 =	vld [tilespmem:s30+$0xF0];
	s29 =	sadd.s32 $0x20, s29;
	[tilespmem:s28+$0x110] =	vst v0  }
0x2c0: {  	v0 =	vld [tilespmem:s30+$0xFFFFFF10];
	p0 =	slt.u32 s29, $0xE0;
	[tilespmem:s28+$0x120] =	vst v1  }
0x2c1: {  	v1 =	vld [tilespmem:s30+$0xFFFFFF20];
	[tilespmem:s28+$0x130] =	vst v2  }
0x2c2: {  	v2 =	vld [tilespmem:s30+$0xFFFFFF30];
	[tilespmem:s28+$0x140] =	vst v3  }
0x2c3: {  	v3 =	vld [tilespmem:s30+$0xFFFFFF40];
	[tilespmem:s28+$0x150] =	vst v4  }
0x2c4: {  	v4 =	vld [tilespmem:s30+$0xFFFFFF50];
	[tilespmem:s28+$0x160] =	vst v5  }
0x2c5: {  	v5 =	vld [tilespmem:s30+$0xFFFFFF60]  }
0x2c6: {  	v7 =	vld [tilespmem:s30+$0xFFFFFF70]  }
0x2c7: {  	v6 =	vld.idx.msk [tilespmem:v6+s21+$0x0], $0xffff  }
0x2c8: {  	v8 =	vld [tilespmem:s30+$0xFFFFFF80]  }
0x2c9: {  	v9 =	vld [tilespmem:s30+$0xFFFFFF90]  }
0x2ca: {  	v10 =	vld [tilespmem:s30+$0xFFFFFFA0]  }
0x2cb: {  	v11 =	vld [tilespmem:s30+$0xFFFFFFB0]  }
0x2cc: {  	s28 =	sadd.s32 $0x400, s28;
	v12 =	vld [tilespmem:s30+$0xFFFFFFC0]  }
0x2cd: {  	v13 =	vld [tilespmem:s30+$0xFFFFFFD0];
	[tilespmem:s28+$0x170] =	vst v6  }
0x2ce: {  	v6 =	vld [tilespmem:s30+$0xFFFFFFE0]  }
0x2cf: {  	v14 =	vld [tilespmem:s30+$0xFFFFFFF0]  }
0x2d0: {  	v15 =	vld [tilespmem:s30+$0x0]  }
0x2d1: {  	v16 =	vld [tilespmem:s30+$0x10]  }
0x2d2: {  	v17 =	vld [tilespmem:s30+$0x20]  }
0x2d3: {  	v18 =	vld [tilespmem:s30+$0x30]  }
0x2d4: {  	v19 =	vld [tilespmem:s30+$0x40]  }
0x2d5: {  	v20 =	vld [tilespmem:s30+$0x50]  }
0x2d6: {  	v21 =	vld [tilespmem:s30+$0x60]  }
0x2d7: {  	v22 =	vld [tilespmem:s30+$0x70]  }
0x2d8: {  	v23 =	vld [tilespmem:s30+$0x80]  }
0x2d9: {  	v24 =	vld [tilespmem:s30+$0x90]  }
0x2da: {  	v25 =	vld [tilespmem:s30+$0xA0]  }
0x2db: {  	v26 =	vld [tilespmem:s30+$0xB0]  }
0x2dc: {  	v27 =	vld [tilespmem:s30+$0xC0]  }
0x2dd: {  	v28 =	vld [tilespmem:s30+$0xD0]  }
0x2de: {  	v29 =	vld [tilespmem:s30+$0xE0]  }
0x2df: {  	v30 =	vld [tilespmem:s30+$0xFFFFFF00]  }
0x2e0: {  	v0 =	vld.idx.msk [tilespmem:v0+s21+$0x0], $0xffff  }
0x2e1: {  	v1 =	vld.idx.msk [tilespmem:v1+s21+$0x0], $0xffff  }
0x2e2: {  	v2 =	vld.idx.msk [tilespmem:v2+s21+$0x0], $0xffff  }
0x2e3: {  	v3 =	vld.idx.msk [tilespmem:v3+s21+$0x0], $0xffff  }
0x2e4: {  	v4 =	vld.idx.msk [tilespmem:v4+s21+$0x0], $0xffff  }
0x2e5: {  	v5 =	vld.idx.msk [tilespmem:v5+s21+$0x0], $0xffff  }
0x2e6: {  	[tilespmem:s28+$0xFFFFFE10] =	vst v0;
	v0 =	vld.idx.msk [tilespmem:v7+s21+$0x0], $0xffff  }
0x2e7: {  	v7 =	vld.idx.msk [tilespmem:v30+s21+$0x0], $0xffff;
	[tilespmem:s28+$0xFFFFFE20] =	vst v1  }
0x2e8: {  	[tilespmem:s28+$0xFFFFFE30] =	vst v2;
	v1 =	vld.idx.msk [tilespmem:v8+s21+$0x0], $0xffff  }
0x2e9: {  	[tilespmem:s28+$0xFFFFFE40] =	vst v3;
	v2 =	vld.idx.msk [tilespmem:v9+s21+$0x0], $0xffff  }
0x2ea: {  	[tilespmem:s28+$0xFFFFFE50] =	vst v4;
	v3 =	vld.idx.msk [tilespmem:v10+s21+$0x0], $0xffff  }
0x2eb: {  	[tilespmem:s28+$0xFFFFFE60] =	vst v5;
	v4 =	vld.idx.msk [tilespmem:v11+s21+$0x0], $0xffff  }
0x2ec: {  	[tilespmem:s28+$0xFFFFFE70] =	vst v0;
	v0 =	vld.idx.msk [tilespmem:v12+s21+$0x0], $0xffff  }
0x2ed: {  	[tilespmem:s28+$0xFFFFFE00] =	vst v7;
	v5 =	vld.idx.msk [tilespmem:v13+s21+$0x0], $0xffff  }
0x2ee: {  	[tilespmem:s28+$0xFFFFFF00] =	vst v1;
	v1 =	vld.idx.msk [tilespmem:v6+s21+$0x0], $0xffff  }
0x2ef: {  	[tilespmem:s28+$0xFFFFFF10] =	vst v2;
	v2 =	vld.idx.msk [tilespmem:v14+s21+$0x0], $0xffff  }
0x2f0: {  	[tilespmem:s28+$0xFFFFFF20] =	vst v3;
	v3 =	vld.idx.msk [tilespmem:v15+s21+$0x0], $0xffff  }
0x2f1: {  	[tilespmem:s28+$0xFFFFFF30] =	vst v4;
	v4 =	vld.idx.msk [tilespmem:v16+s21+$0x0], $0xffff  }
0x2f2: {  	[tilespmem:s28+$0xFFFFFF40] =	vst v0;
	v0 =	vld.idx.msk [tilespmem:v17+s21+$0x0], $0xffff  }
0x2f3: {  	[tilespmem:s28+$0xFFFFFF50] =	vst v5;
	v5 =	vld.idx.msk [tilespmem:v18+s21+$0x0], $0xffff  }
0x2f4: {  	[tilespmem:s28+$0xFFFFFF60] =	vst v1;
	v1 =	vld.idx.msk [tilespmem:v19+s21+$0x0], $0xffff  }
0x2f5: {  	[tilespmem:s28+$0xFFFFFF70] =	vst v2;
	v2 =	vld.idx.msk [tilespmem:v20+s21+$0x0], $0xffff  }
0x2f6: {  	[tilespmem:s28+$0x0] =	vst v3;
	v3 =	vld.idx.msk [tilespmem:v21+s21+$0x0], $0xffff  }
0x2f7: {  	[tilespmem:s28+$0x10] =	vst v4;
	v4 =	vld.idx.msk [tilespmem:v22+s21+$0x0], $0xffff  }
0x2f8: {  	[tilespmem:s28+$0x20] =	vst v0;
	v6 =	vld.idx.msk [tilespmem:v23+s21+$0x0], $0xffff  }
0x2f9: {  	[tilespmem:s28+$0x30] =	vst v5;
	v0 =	vld.idx.msk [tilespmem:v24+s21+$0x0], $0xffff  }
.Ltmp17:
0x2fa: {  	[tilespmem:s28+$0x40] =	vst v1;
	v1 =	vld.idx.msk [tilespmem:v25+s21+$0x0], $0xffff;
	(pc) =	sbr.rel @p0 .LBB2_24-.Ltmp17, $4  }
0x2fb: {  	[tilespmem:s28+$0x50] =	vst v2;
	v2 =	vld.idx.msk [tilespmem:v26+s21+$0x0], $0xffff  }
0x2fc: {  	[tilespmem:s28+$0x60] =	vst v3;
	v3 =	vld.idx.msk [tilespmem:v27+s21+$0x0], $0xffff  }
0x2fd: {  	[tilespmem:s28+$0x70] =	vst v4;
	v4 =	vld.idx.msk [tilespmem:v28+s21+$0x0], $0xffff  }
0x2fe: {  	s30 =	sadd.s32 $0x200, s30;
	[tilespmem:s28+$0x100] =	vst v6;
	v5 =	vld.idx.msk [tilespmem:v29+s21+$0x0], $0xffff  }
0x2ff: {  	[tilespmem:s28+$0x110] =	vst v0  }
0x300: {  	[tilespmem:s28+$0x120] =	vst v1  }
0x301: {  	s0 =	sshll.u32 s26, $0x11;
	[tilespmem:s28+$0x130] =	vst v2  }
0x302: {  	s0 =	sor.u32 s10, s0;
	[tilespmem:s28+$0x140] =	vst v3  }
0x303: {  	s26 =	sshrl.u32 s0, $0x3;
	[tilespmem:s28+$0x150] =	vst v4  }
0x304: {  	s29 =	simm.s32 $0x1C700;
	s0 =	simm.s32 $0x0;
	[tilespmem:s28+$0x160] =	vst v5;
	s28 =	sadd.s32 s9, s26  }
.LBB2_26:
0x305: {  	p0 =	sne.s32 s0, $0xF80  }
.Ltmp18:
0x306: {  	_ = 	snop;
	(pc) =	sbr.rel @p0 .LBB2_26-.Ltmp18, $4  }
0x307: {  	_ = 	snop  }
0x308: {  	s30 =	sadd.s32 s0, s28  }
0x309: {  	[hbm4b:s30+s6] =	stream.linear.scatter [tilespmem:s29], [sflag:$0x2], $0x80, $0x38;
	[tilespmem:$0x1E700] =	vst v63  }
0x30a: {  	s0 =	sadd.s32 $0x80, s0;
	s29 =	sadd.s32 $0x100, s29  }
0x30b: {  	s0 =	simm.s32 $0x11F0  }
0x30c: {  	v0 =	vld [tilespmem:s0+$0x0]  }
0x30d: {  	v1 =	vld [tilespmem:s0+$0xFFFFFE20]  }
0x30e: {  	v2 =	vld [tilespmem:s0+$0xFFFFFE30]  }
0x30f: {  	v3 =	vld [tilespmem:s0+$0xFFFFFE40]  }
0x310: {  	v4 =	vld [tilespmem:s0+$0xFFFFFE50]  }
0x311: {  	v5 =	vld [tilespmem:s0+$0xFFFFFE60]  }
0x312: {  	v6 =	vld [tilespmem:s0+$0xFFFFFE70]  }
0x313: {  	v7 =	vld [tilespmem:s0+$0xFFFFFE80]  }
0x314: {  	v8 =	vld [tilespmem:s0+$0xFFFFFE90]  }
0x315: {  	v9 =	vld [tilespmem:s0+$0xFFFFFEA0]  }
0x316: {  	v10 =	vld [tilespmem:s0+$0xFFFFFEB0]  }
0x317: {  	v11 =	vld [tilespmem:s0+$0xFFFFFEC0]  }
0x318: {  	v12 =	vld [tilespmem:s0+$0xFFFFFED0]  }
0x319: {  	v13 =	vld [tilespmem:s0+$0xFFFFFEE0]  }
0x31a: {  	v14 =	vld [tilespmem:s0+$0xFFFFFEF0]  }
0x31b: {  	v15 =	vld [tilespmem:s0+$0xFFFFFF00]  }
0x31c: {  	v16 =	vld [tilespmem:s0+$0xFFFFFF10]  }
0x31d: {  	v17 =	vld [tilespmem:s0+$0xFFFFFF20]  }
0x31e: {  	v18 =	vld [tilespmem:s0+$0xFFFFFF30]  }
0x31f: {  	v19 =	vld [tilespmem:s0+$0xFFFFFF40]  }
0x320: {  	v20 =	vld [tilespmem:s0+$0xFFFFFF50]  }
0x321: {  	v21 =	vld [tilespmem:s0+$0xFFFFFF60]  }
0x322: {  	v22 =	vld [tilespmem:s0+$0xFFFFFF70]  }
0x323: {  	v23 =	vld [tilespmem:s0+$0xFFFFFF80]  }
0x324: {  	v24 =	vld [tilespmem:s0+$0xFFFFFF90]  }
0x325: {  	v25 =	vld [tilespmem:s0+$0xFFFFFFA0]  }
0x326: {  	v26 =	vld [tilespmem:s0+$0xFFFFFFB0]  }
0x327: {  	v27 =	vld [tilespmem:s0+$0xFFFFFFC0]  }
0x328: {  	v28 =	vld [tilespmem:s0+$0xFFFFFFD0]  }
0x329: {  	v29 =	vld [tilespmem:s0+$0xFFFFFFE0]  }
0x32a: {  	v30 =	vld [tilespmem:s0+$0xFFFFFFF0]  }
0x32b: {  	v31 =	vld [tilespmem:s0+$0xFFFFFE10]  }
0x32c: {  	v0 =	vld.idx.msk [tilespmem:v0+s21+$0x0], $0xffff  }
0x32d: {  	v1 =	vld.idx.msk [tilespmem:v1+s21+$0x0], $0xffff  }
0x32e: {  	v2 =	vld.idx.msk [tilespmem:v2+s21+$0x0], $0xffff  }
0x32f: {  	v3 =	vld.idx.msk [tilespmem:v3+s21+$0x0], $0xffff  }
0x330: {  	v4 =	vld.idx.msk [tilespmem:v4+s21+$0x0], $0xffff  }
0x331: {  	s28 =	simm.s32 $0x1C980;
	v5 =	vld.idx.msk [tilespmem:v5+s21+$0x0], $0xffff  }
0x332: {  	[tilespmem:s28+$0x170] =	vst v0;
	v0 =	vld.idx.msk [tilespmem:v6+s21+$0x0], $0xffff  }
0x333: {  	[tilespmem:s28+$0xFFFFFE10] =	vst v1;
	v1 =	vld.idx.msk [tilespmem:v7+s21+$0x0], $0xffff  }
0x334: {  	v6 =	vld.idx.msk [tilespmem:v31+s21+$0x0], $0xffff;
	[tilespmem:s28+$0xFFFFFE20] =	vst v2  }
0x335: {  	[tilespmem:s28+$0xFFFFFE30] =	vst v3;
	v2 =	vld.idx.msk [tilespmem:v8+s21+$0x0], $0xffff  }
0x336: {  	[tilespmem:s28+$0xFFFFFE40] =	vst v4;
	v3 =	vld.idx.msk [tilespmem:v9+s21+$0x0], $0xffff  }
0x337: {  	[tilespmem:s28+$0xFFFFFE50] =	vst v5;
	v4 =	vld.idx.msk [tilespmem:v10+s21+$0x0], $0xffff  }
0x338: {  	v5 =	vld.idx.msk [tilespmem:v13+s21+$0x0], $0xffff;
	[tilespmem:s28+$0xFFFFFE60] =	vst v0  }
0x339: {  	v7 =	vld.idx.msk [tilespmem:v24+s21+$0x0], $0xffff;
	[tilespmem:s28+$0xFFFFFE70] =	vst v1  }
0x33a: {  	v0 =	vld.idx.msk [tilespmem:v11+s21+$0x0], $0xffff;
	[tilespmem:s28+$0xFFFFFE00] =	vst v6  }
0x33b: {  	v1 =	vld.idx.msk [tilespmem:v12+s21+$0x0], $0xffff;
	[tilespmem:s28+$0xFFFFFF00] =	vst v2  }
0x33c: {  	v2 =	vld.idx.msk [tilespmem:v14+s21+$0x0], $0xffff;
	[tilespmem:s28+$0xFFFFFF10] =	vst v3  }
0x33d: {  	v3 =	vld.idx.msk [tilespmem:v15+s21+$0x0], $0xffff;
	[tilespmem:s28+$0xFFFFFF20] =	vst v4  }
0x33e: {  	v4 =	vld.idx.msk [tilespmem:v16+s21+$0x0], $0xffff;
	[tilespmem:s28+$0xFFFFFF50] =	vst v5  }
0x33f: {  	v5 =	vld.idx.msk [tilespmem:v19+s21+$0x0], $0xffff;
	[tilespmem:s28+$0x100] =	vst v7  }
0x340: {  	v6 =	vld.idx.msk [tilespmem:v23+s21+$0x0], $0xffff;
	[tilespmem:s28+$0xFFFFFF30] =	vst v0  }
0x341: {  	v0 =	vld.idx.msk [tilespmem:v17+s21+$0x0], $0xffff;
	[tilespmem:s28+$0xFFFFFF40] =	vst v1  }
0x342: {  	v1 =	vld.idx.msk [tilespmem:v18+s21+$0x0], $0xffff;
	[tilespmem:s28+$0xFFFFFF60] =	vst v2  }
0x343: {  	v2 =	vld.idx.msk [tilespmem:v20+s21+$0x0], $0xffff;
	[tilespmem:s28+$0xFFFFFF70] =	vst v3  }
0x344: {  	v3 =	vld.idx.msk [tilespmem:v21+s21+$0x0], $0xffff;
	[tilespmem:s28+$0x0] =	vst v4  }
0x345: {  	v4 =	vld.idx.msk [tilespmem:v22+s21+$0x0], $0xffff;
	[tilespmem:s28+$0x30] =	vst v5  }
0x346: {  	[tilespmem:s28+$0x70] =	vst v6;
	v5 =	vld.idx.msk [tilespmem:v30+s21+$0x0], $0xffff  }
0x347: {  	[tilespmem:s28+$0x10] =	vst v0;
	v0 =	vld.idx.msk [tilespmem:v25+s21+$0x0], $0xffff  }
0x348: {  	[tilespmem:s28+$0x20] =	vst v1;
	v1 =	vld.idx.msk [tilespmem:v26+s21+$0x0], $0xffff  }
0x349: {  	[tilespmem:s28+$0x40] =	vst v2;
	v2 =	vld.idx.msk [tilespmem:v27+s21+$0x0], $0xffff  }
0x34a: {  	[tilespmem:s28+$0x50] =	vst v3;
	v3 =	vld.idx.msk [tilespmem:v28+s21+$0x0], $0xffff  }
0x34b: {  	s29 =	simm.s32 $0x0;
	s30 =	simm.s32 $0x13F0;
	[tilespmem:s28+$0x60] =	vst v4;
	v4 =	vld.idx.msk [tilespmem:v29+s21+$0x0], $0xffff  }
.LBB2_28:
0x34c: {  	v6 =	vld [tilespmem:s30+$0x0];
	s29 =	sadd.s32 $0x20, s29;
	[tilespmem:s28+$0x110] =	vst v0  }
0x34d: {  	v0 =	vld [tilespmem:s30+$0xFFFFFE20];
	p0 =	slt.u32 s29, $0xE0;
	[tilespmem:s28+$0x120] =	vst v1  }
0x34e: {  	v1 =	vld [tilespmem:s30+$0xFFFFFE30];
	[tilespmem:s28+$0x130] =	vst v2  }
0x34f: {  	v2 =	vld [tilespmem:s30+$0xFFFFFE40];
	[tilespmem:s28+$0x140] =	vst v3  }
0x350: {  	v3 =	vld [tilespmem:s30+$0xFFFFFE50];
	[tilespmem:s28+$0x150] =	vst v4  }
0x351: {  	v4 =	vld [tilespmem:s30+$0xFFFFFE60];
	[tilespmem:s28+$0x160] =	vst v5  }
0x352: {  	v5 =	vld [tilespmem:s30+$0xFFFFFE70]  }
0x353: {  	v7 =	vld [tilespmem:s30+$0xFFFFFE80]  }
0x354: {  	v6 =	vld.idx.msk [tilespmem:v6+s21+$0x0], $0xffff  }
0x355: {  	v8 =	vld [tilespmem:s30+$0xFFFFFE90]  }
0x356: {  	v9 =	vld [tilespmem:s30+$0xFFFFFEA0]  }
0x357: {  	v10 =	vld [tilespmem:s30+$0xFFFFFEB0]  }
0x358: {  	v11 =	vld [tilespmem:s30+$0xFFFFFEC0]  }
0x359: {  	s28 =	sadd.s32 $0x400, s28;
	v12 =	vld [tilespmem:s30+$0xFFFFFED0]  }
0x35a: {  	v13 =	vld [tilespmem:s30+$0xFFFFFEE0];
	[tilespmem:s28+$0x170] =	vst v6  }
0x35b: {  	v6 =	vld [tilespmem:s30+$0xFFFFFEF0]  }
0x35c: {  	v14 =	vld [tilespmem:s30+$0xFFFFFF00]  }
0x35d: {  	v15 =	vld [tilespmem:s30+$0xFFFFFF10]  }
0x35e: {  	v16 =	vld [tilespmem:s30+$0xFFFFFF20]  }
0x35f: {  	v17 =	vld [tilespmem:s30+$0xFFFFFF30]  }
0x360: {  	v18 =	vld [tilespmem:s30+$0xFFFFFF40]  }
0x361: {  	v19 =	vld [tilespmem:s30+$0xFFFFFF50]  }
0x362: {  	v20 =	vld [tilespmem:s30+$0xFFFFFF60]  }
0x363: {  	v21 =	vld [tilespmem:s30+$0xFFFFFF70]  }
0x364: {  	v22 =	vld [tilespmem:s30+$0xFFFFFF80]  }
0x365: {  	v23 =	vld [tilespmem:s30+$0xFFFFFF90]  }
0x366: {  	v24 =	vld [tilespmem:s30+$0xFFFFFFA0]  }
0x367: {  	v25 =	vld [tilespmem:s30+$0xFFFFFFB0]  }
0x368: {  	v26 =	vld [tilespmem:s30+$0xFFFFFFC0]  }
0x369: {  	v27 =	vld [tilespmem:s30+$0xFFFFFFD0]  }
0x36a: {  	v28 =	vld [tilespmem:s30+$0xFFFFFFE0]  }
0x36b: {  	v29 =	vld [tilespmem:s30+$0xFFFFFFF0]  }
0x36c: {  	v30 =	vld [tilespmem:s30+$0xFFFFFE10]  }
0x36d: {  	v0 =	vld.idx.msk [tilespmem:v0+s21+$0x0], $0xffff  }
0x36e: {  	v1 =	vld.idx.msk [tilespmem:v1+s21+$0x0], $0xffff  }
0x36f: {  	v2 =	vld.idx.msk [tilespmem:v2+s21+$0x0], $0xffff  }
0x370: {  	v3 =	vld.idx.msk [tilespmem:v3+s21+$0x0], $0xffff  }
0x371: {  	v4 =	vld.idx.msk [tilespmem:v4+s21+$0x0], $0xffff  }
0x372: {  	v5 =	vld.idx.msk [tilespmem:v5+s21+$0x0], $0xffff  }
0x373: {  	[tilespmem:s28+$0xFFFFFE10] =	vst v0;
	v0 =	vld.idx.msk [tilespmem:v7+s21+$0x0], $0xffff  }
0x374: {  	v7 =	vld.idx.msk [tilespmem:v30+s21+$0x0], $0xffff;
	[tilespmem:s28+$0xFFFFFE20] =	vst v1  }
0x375: {  	[tilespmem:s28+$0xFFFFFE30] =	vst v2;
	v1 =	vld.idx.msk [tilespmem:v8+s21+$0x0], $0xffff  }
0x376: {  	[tilespmem:s28+$0xFFFFFE40] =	vst v3;
	v2 =	vld.idx.msk [tilespmem:v9+s21+$0x0], $0xffff  }
0x377: {  	[tilespmem:s28+$0xFFFFFE50] =	vst v4;
	v3 =	vld.idx.msk [tilespmem:v10+s21+$0x0], $0xffff  }
0x378: {  	[tilespmem:s28+$0xFFFFFE60] =	vst v5;
	v4 =	vld.idx.msk [tilespmem:v11+s21+$0x0], $0xffff  }
0x379: {  	[tilespmem:s28+$0xFFFFFE70] =	vst v0;
	v0 =	vld.idx.msk [tilespmem:v12+s21+$0x0], $0xffff  }
0x37a: {  	[tilespmem:s28+$0xFFFFFE00] =	vst v7;
	v5 =	vld.idx.msk [tilespmem:v13+s21+$0x0], $0xffff  }
0x37b: {  	[tilespmem:s28+$0xFFFFFF00] =	vst v1;
	v1 =	vld.idx.msk [tilespmem:v6+s21+$0x0], $0xffff  }
0x37c: {  	[tilespmem:s28+$0xFFFFFF10] =	vst v2;
	v2 =	vld.idx.msk [tilespmem:v14+s21+$0x0], $0xffff  }
0x37d: {  	[tilespmem:s28+$0xFFFFFF20] =	vst v3;
	v3 =	vld.idx.msk [tilespmem:v15+s21+$0x0], $0xffff  }
0x37e: {  	[tilespmem:s28+$0xFFFFFF30] =	vst v4;
	v4 =	vld.idx.msk [tilespmem:v16+s21+$0x0], $0xffff  }
0x37f: {  	[tilespmem:s28+$0xFFFFFF40] =	vst v0;
	v0 =	vld.idx.msk [tilespmem:v17+s21+$0x0], $0xffff  }
0x380: {  	[tilespmem:s28+$0xFFFFFF50] =	vst v5;
	v5 =	vld.idx.msk [tilespmem:v18+s21+$0x0], $0xffff  }
0x381: {  	[tilespmem:s28+$0xFFFFFF60] =	vst v1;
	v1 =	vld.idx.msk [tilespmem:v19+s21+$0x0], $0xffff  }
0x382: {  	[tilespmem:s28+$0xFFFFFF70] =	vst v2;
	v2 =	vld.idx.msk [tilespmem:v20+s21+$0x0], $0xffff  }
0x383: {  	[tilespmem:s28+$0x0] =	vst v3;
	v3 =	vld.idx.msk [tilespmem:v21+s21+$0x0], $0xffff  }
0x384: {  	[tilespmem:s28+$0x10] =	vst v4;
	v4 =	vld.idx.msk [tilespmem:v22+s21+$0x0], $0xffff  }
0x385: {  	[tilespmem:s28+$0x20] =	vst v0;
	v6 =	vld.idx.msk [tilespmem:v23+s21+$0x0], $0xffff  }
0x386: {  	[tilespmem:s28+$0x30] =	vst v5;
	v0 =	vld.idx.msk [tilespmem:v24+s21+$0x0], $0xffff  }
.Ltmp19:
0x387: {  	[tilespmem:s28+$0x40] =	vst v1;
	v1 =	vld.idx.msk [tilespmem:v25+s21+$0x0], $0xffff;
	(pc) =	sbr.rel @p0 .LBB2_28-.Ltmp19, $4  }
0x388: {  	[tilespmem:s28+$0x50] =	vst v2;
	v2 =	vld.idx.msk [tilespmem:v26+s21+$0x0], $0xffff  }
0x389: {  	[tilespmem:s28+$0x60] =	vst v3;
	v3 =	vld.idx.msk [tilespmem:v27+s21+$0x0], $0xffff  }
0x38a: {  	[tilespmem:s28+$0x70] =	vst v4;
	v4 =	vld.idx.msk [tilespmem:v28+s21+$0x0], $0xffff  }
0x38b: {  	s30 =	sadd.s32 $0x200, s30;
	[tilespmem:s28+$0x100] =	vst v6;
	v5 =	vld.idx.msk [tilespmem:v29+s21+$0x0], $0xffff  }
0x38c: {  	[tilespmem:s28+$0x110] =	vst v0  }
0x38d: {  	[tilespmem:s28+$0x120] =	vst v1  }
0x38e: {  	[tilespmem:s28+$0x130] =	vst v2  }
0x38f: {  	[tilespmem:s28+$0x140] =	vst v3  }
0x390: {  	s29 =	sadd.s32 s26, s14;
	s30 =	simm.s32 $0x1C780;
	[tilespmem:s28+$0x150] =	vst v4  }
0x391: {  	s31 =	simm.s32 $0x1C880;
	s0 =	sadd.s32 $0x0, s29;
	[tilespmem:s28+$0x160] =	vst v5;
	s28 =	simm.s32 $0x80  }
.LBB2_30:
0x392: {  	[hbm4b:s0+s6] =	stream.linear.scatter [tilespmem:s30], [sflag:$0x2], $0x80, $0x38;
	[tilespmem:$0x1E700] =	vst v63  }
0x393: {  	s0 =	smov.u32 s28;
	s30 =	smov.u32 s31;
	p0 =	sne.s32 s28, $0xF80  }
.Ltmp20:
0x394: {  	s28 =	sadd.s32 $0x80, s28;
	(pc) =	sbr.rel @p0 .LBB2_30-.Ltmp20, $2  }
0x395: {  	_ =	sdelay $0x2  }
0x396: {  	s31 =	sadd.s32 $0x100, s31;
	s0 =	sadd.s32 s0, s29  }
0x397: {  	[hbm4b:s0+s6] =	stream.linear.scatter [tilespmem:s30], [sflag:$0x2], $0x80, $0x38;
	[tilespmem:$0x1E700] =	vst v63  }
0x398: {  	_ =	swait.ge [sflag:s23], $0x1000  }
0x399: {  	[sflag:s23] =	ssyncset.done $0x0  }
0x39a: {  	s31 =	simm.s32 $0x21F0;
	[sflag:s23] =	ssyncadd.s32 $0xFFFFF000  }
0x39b: {  	v0 =	vld [tilespmem:s31+$0x0]  }
0x39c: {  	v1 =	vld [tilespmem:s31+$0xFFFFFE20]  }
0x39d: {  	v2 =	vld [tilespmem:s31+$0xFFFFFE30]  }
0x39e: {  	v3 =	vld [tilespmem:s31+$0xFFFFFE40]  }
0x39f: {  	v4 =	vld [tilespmem:s31+$0xFFFFFE50]  }
0x3a0: {  	v5 =	vld [tilespmem:s31+$0xFFFFFE60]  }
0x3a1: {  	v6 =	vld [tilespmem:s31+$0xFFFFFE70]  }
0x3a2: {  	v7 =	vld [tilespmem:s31+$0xFFFFFE80]  }
0x3a3: {  	v8 =	vld [tilespmem:s31+$0xFFFFFE90]  }
0x3a4: {  	v9 =	vld [tilespmem:s31+$0xFFFFFEA0]  }
0x3a5: {  	v10 =	vld [tilespmem:s31+$0xFFFFFEB0]  }
0x3a6: {  	v11 =	vld [tilespmem:s31+$0xFFFFFEC0]  }
0x3a7: {  	v12 =	vld [tilespmem:s31+$0xFFFFFED0]  }
0x3a8: {  	v13 =	vld [tilespmem:s31+$0xFFFFFEE0]  }
0x3a9: {  	v14 =	vld [tilespmem:s31+$0xFFFFFEF0]  }
0x3aa: {  	v15 =	vld [tilespmem:s31+$0xFFFFFF00]  }
0x3ab: {  	v16 =	vld [tilespmem:s31+$0xFFFFFF10]  }
0x3ac: {  	v17 =	vld [tilespmem:s31+$0xFFFFFF20]  }
0x3ad: {  	v18 =	vld [tilespmem:s31+$0xFFFFFF30]  }
0x3ae: {  	v19 =	vld [tilespmem:s31+$0xFFFFFF40]  }
0x3af: {  	v20 =	vld [tilespmem:s31+$0xFFFFFF50]  }
0x3b0: {  	v21 =	vld [tilespmem:s31+$0xFFFFFF60]  }
0x3b1: {  	v22 =	vld [tilespmem:s31+$0xFFFFFF70]  }
0x3b2: {  	v23 =	vld [tilespmem:s31+$0xFFFFFF80]  }
0x3b3: {  	v24 =	vld [tilespmem:s31+$0xFFFFFF90]  }
0x3b4: {  	v25 =	vld [tilespmem:s31+$0xFFFFFFA0]  }
0x3b5: {  	v26 =	vld [tilespmem:s31+$0xFFFFFFB0]  }
0x3b6: {  	v27 =	vld [tilespmem:s31+$0xFFFFFFC0]  }
0x3b7: {  	v28 =	vld [tilespmem:s31+$0xFFFFFFD0]  }
0x3b8: {  	v29 =	vld [tilespmem:s31+$0xFFFFFFE0]  }
0x3b9: {  	v30 =	vld [tilespmem:s31+$0xFFFFFFF0]  }
0x3ba: {  	v31 =	vld [tilespmem:s31+$0xFFFFFE10]  }
0x3bb: {  	v0 =	vld.idx.msk [tilespmem:v0+s21+$0x0], $0xffff  }
0x3bc: {  	v1 =	vld.idx.msk [tilespmem:v1+s21+$0x0], $0xffff  }
0x3bd: {  	v2 =	vld.idx.msk [tilespmem:v2+s21+$0x0], $0xffff  }
0x3be: {  	v3 =	vld.idx.msk [tilespmem:v3+s21+$0x0], $0xffff  }
0x3bf: {  	v4 =	vld.idx.msk [tilespmem:v4+s21+$0x0], $0xffff  }
0x3c0: {  	s28 =	simm.s32 $0x1C900;
	v5 =	vld.idx.msk [tilespmem:v5+s21+$0x0], $0xffff  }
0x3c1: {  	[tilespmem:s28+$0x170] =	vst v0;
	v0 =	vld.idx.msk [tilespmem:v6+s21+$0x0], $0xffff  }
0x3c2: {  	[tilespmem:s28+$0xFFFFFE10] =	vst v1;
	v1 =	vld.idx.msk [tilespmem:v7+s21+$0x0], $0xffff  }
0x3c3: {  	v6 =	vld.idx.msk [tilespmem:v31+s21+$0x0], $0xffff;
	[tilespmem:s28+$0xFFFFFE20] =	vst v2  }
0x3c4: {  	[tilespmem:s28+$0xFFFFFE30] =	vst v3;
	v2 =	vld.idx.msk [tilespmem:v8+s21+$0x0], $0xffff  }
0x3c5: {  	[tilespmem:s28+$0xFFFFFE40] =	vst v4;
	v3 =	vld.idx.msk [tilespmem:v9+s21+$0x0], $0xffff  }
0x3c6: {  	[tilespmem:s28+$0xFFFFFE50] =	vst v5;
	v4 =	vld.idx.msk [tilespmem:v10+s21+$0x0], $0xffff  }
0x3c7: {  	v5 =	vld.idx.msk [tilespmem:v13+s21+$0x0], $0xffff;
	[tilespmem:s28+$0xFFFFFE60] =	vst v0  }
0x3c8: {  	v7 =	vld.idx.msk [tilespmem:v24+s21+$0x0], $0xffff;
	[tilespmem:s28+$0xFFFFFE70] =	vst v1  }
0x3c9: {  	v0 =	vld.idx.msk [tilespmem:v11+s21+$0x0], $0xffff;
	[tilespmem:s28+$0xFFFFFE00] =	vst v6  }
0x3ca: {  	v1 =	vld.idx.msk [tilespmem:v12+s21+$0x0], $0xffff;
	[tilespmem:s28+$0xFFFFFF00] =	vst v2  }
0x3cb: {  	v2 =	vld.idx.msk [tilespmem:v14+s21+$0x0], $0xffff;
	[tilespmem:s28+$0xFFFFFF10] =	vst v3  }
0x3cc: {  	v3 =	vld.idx.msk [tilespmem:v15+s21+$0x0], $0xffff;
	[tilespmem:s28+$0xFFFFFF20] =	vst v4  }
0x3cd: {  	v4 =	vld.idx.msk [tilespmem:v16+s21+$0x0], $0xffff;
	[tilespmem:s28+$0xFFFFFF50] =	vst v5  }
0x3ce: {  	v5 =	vld.idx.msk [tilespmem:v19+s21+$0x0], $0xffff;
	[tilespmem:s28+$0x100] =	vst v7  }
0x3cf: {  	v6 =	vld.idx.msk [tilespmem:v23+s21+$0x0], $0xffff;
	[tilespmem:s28+$0xFFFFFF30] =	vst v0  }
0x3d0: {  	v0 =	vld.idx.msk [tilespmem:v17+s21+$0x0], $0xffff;
	[tilespmem:s28+$0xFFFFFF40] =	vst v1  }
0x3d1: {  	v1 =	vld.idx.msk [tilespmem:v18+s21+$0x0], $0xffff;
	[tilespmem:s28+$0xFFFFFF60] =	vst v2  }
0x3d2: {  	v2 =	vld.idx.msk [tilespmem:v20+s21+$0x0], $0xffff;
	[tilespmem:s28+$0xFFFFFF70] =	vst v3  }
0x3d3: {  	v3 =	vld.idx.msk [tilespmem:v21+s21+$0x0], $0xffff;
	[tilespmem:s28+$0x0] =	vst v4  }
0x3d4: {  	v4 =	vld.idx.msk [tilespmem:v22+s21+$0x0], $0xffff;
	[tilespmem:s28+$0x30] =	vst v5  }
0x3d5: {  	[tilespmem:s28+$0x70] =	vst v6;
	v5 =	vld.idx.msk [tilespmem:v30+s21+$0x0], $0xffff  }
0x3d6: {  	[tilespmem:s28+$0x10] =	vst v0;
	v0 =	vld.idx.msk [tilespmem:v25+s21+$0x0], $0xffff  }
0x3d7: {  	[tilespmem:s28+$0x20] =	vst v1;
	v1 =	vld.idx.msk [tilespmem:v26+s21+$0x0], $0xffff  }
0x3d8: {  	[tilespmem:s28+$0x40] =	vst v2;
	v2 =	vld.idx.msk [tilespmem:v27+s21+$0x0], $0xffff  }
0x3d9: {  	[tilespmem:s28+$0x50] =	vst v3;
	v3 =	vld.idx.msk [tilespmem:v28+s21+$0x0], $0xffff  }
0x3da: {  	s29 =	simm.s32 $0x0;
	s30 =	simm.s32 $0x23F0;
	[tilespmem:s28+$0x60] =	vst v4;
	v4 =	vld.idx.msk [tilespmem:v29+s21+$0x0], $0xffff  }
.LBB2_32:
0x3db: {  	v6 =	vld [tilespmem:s30+$0x0];
	s29 =	sadd.s32 $0x20, s29;
	[tilespmem:s28+$0x110] =	vst v0  }
0x3dc: {  	v0 =	vld [tilespmem:s30+$0xFFFFFE20];
	p0 =	slt.u32 s29, $0xE0;
	[tilespmem:s28+$0x120] =	vst v1  }
0x3dd: {  	v1 =	vld [tilespmem:s30+$0xFFFFFE30];
	[tilespmem:s28+$0x130] =	vst v2  }
0x3de: {  	v2 =	vld [tilespmem:s30+$0xFFFFFE40];
	[tilespmem:s28+$0x140] =	vst v3  }
0x3df: {  	v3 =	vld [tilespmem:s30+$0xFFFFFE50];
	[tilespmem:s28+$0x150] =	vst v4  }
0x3e0: {  	v4 =	vld [tilespmem:s30+$0xFFFFFE60];
	[tilespmem:s28+$0x160] =	vst v5  }
0x3e1: {  	v5 =	vld [tilespmem:s30+$0xFFFFFE70]  }
0x3e2: {  	v7 =	vld [tilespmem:s30+$0xFFFFFE80]  }
0x3e3: {  	v6 =	vld.idx.msk [tilespmem:v6+s21+$0x0], $0xffff  }
0x3e4: {  	v8 =	vld [tilespmem:s30+$0xFFFFFE90]  }
0x3e5: {  	v9 =	vld [tilespmem:s30+$0xFFFFFEA0]  }
0x3e6: {  	v10 =	vld [tilespmem:s30+$0xFFFFFEB0]  }
0x3e7: {  	v11 =	vld [tilespmem:s30+$0xFFFFFEC0]  }
0x3e8: {  	s28 =	sadd.s32 $0x400, s28;
	v12 =	vld [tilespmem:s30+$0xFFFFFED0]  }
0x3e9: {  	v13 =	vld [tilespmem:s30+$0xFFFFFEE0];
	[tilespmem:s28+$0x170] =	vst v6  }
0x3ea: {  	v6 =	vld [tilespmem:s30+$0xFFFFFEF0]  }
0x3eb: {  	v14 =	vld [tilespmem:s30+$0xFFFFFF00]  }
0x3ec: {  	v15 =	vld [tilespmem:s30+$0xFFFFFF10]  }
0x3ed: {  	v16 =	vld [tilespmem:s30+$0xFFFFFF20]  }
0x3ee: {  	v17 =	vld [tilespmem:s30+$0xFFFFFF30]  }
0x3ef: {  	v18 =	vld [tilespmem:s30+$0xFFFFFF40]  }
0x3f0: {  	v19 =	vld [tilespmem:s30+$0xFFFFFF50]  }
0x3f1: {  	v20 =	vld [tilespmem:s30+$0xFFFFFF60]  }
0x3f2: {  	v21 =	vld [tilespmem:s30+$0xFFFFFF70]  }
0x3f3: {  	v22 =	vld [tilespmem:s30+$0xFFFFFF80]  }
0x3f4: {  	v23 =	vld [tilespmem:s30+$0xFFFFFF90]  }
0x3f5: {  	v24 =	vld [tilespmem:s30+$0xFFFFFFA0]  }
0x3f6: {  	v25 =	vld [tilespmem:s30+$0xFFFFFFB0]  }
0x3f7: {  	v26 =	vld [tilespmem:s30+$0xFFFFFFC0]  }
0x3f8: {  	v27 =	vld [tilespmem:s30+$0xFFFFFFD0]  }
0x3f9: {  	v28 =	vld [tilespmem:s30+$0xFFFFFFE0]  }
0x3fa: {  	v29 =	vld [tilespmem:s30+$0xFFFFFFF0]  }
0x3fb: {  	v30 =	vld [tilespmem:s30+$0xFFFFFE10]  }
0x3fc: {  	v0 =	vld.idx.msk [tilespmem:v0+s21+$0x0], $0xffff  }
0x3fd: {  	v1 =	vld.idx.msk [tilespmem:v1+s21+$0x0], $0xffff  }
0x3fe: {  	v2 =	vld.idx.msk [tilespmem:v2+s21+$0x0], $0xffff  }
0x3ff: {  	v3 =	vld.idx.msk [tilespmem:v3+s21+$0x0], $0xffff  }
0x400: {  	v4 =	vld.idx.msk [tilespmem:v4+s21+$0x0], $0xffff  }
0x401: {  	v5 =	vld.idx.msk [tilespmem:v5+s21+$0x0], $0xffff  }
0x402: {  	[tilespmem:s28+$0xFFFFFE10] =	vst v0;
	v0 =	vld.idx.msk [tilespmem:v7+s21+$0x0], $0xffff  }
0x403: {  	v7 =	vld.idx.msk [tilespmem:v30+s21+$0x0], $0xffff;
	[tilespmem:s28+$0xFFFFFE20] =	vst v1  }
0x404: {  	[tilespmem:s28+$0xFFFFFE30] =	vst v2;
	v1 =	vld.idx.msk [tilespmem:v8+s21+$0x0], $0xffff  }
0x405: {  	[tilespmem:s28+$0xFFFFFE40] =	vst v3;
	v2 =	vld.idx.msk [tilespmem:v9+s21+$0x0], $0xffff  }
0x406: {  	[tilespmem:s28+$0xFFFFFE50] =	vst v4;
	v3 =	vld.idx.msk [tilespmem:v10+s21+$0x0], $0xffff  }
0x407: {  	[tilespmem:s28+$0xFFFFFE60] =	vst v5;
	v4 =	vld.idx.msk [tilespmem:v11+s21+$0x0], $0xffff  }
0x408: {  	[tilespmem:s28+$0xFFFFFE70] =	vst v0;
	v0 =	vld.idx.msk [tilespmem:v12+s21+$0x0], $0xffff  }
0x409: {  	[tilespmem:s28+$0xFFFFFE00] =	vst v7;
	v5 =	vld.idx.msk [tilespmem:v13+s21+$0x0], $0xffff  }
0x40a: {  	[tilespmem:s28+$0xFFFFFF00] =	vst v1;
	v1 =	vld.idx.msk [tilespmem:v6+s21+$0x0], $0xffff  }
0x40b: {  	[tilespmem:s28+$0xFFFFFF10] =	vst v2;
	v2 =	vld.idx.msk [tilespmem:v14+s21+$0x0], $0xffff  }
0x40c: {  	[tilespmem:s28+$0xFFFFFF20] =	vst v3;
	v3 =	vld.idx.msk [tilespmem:v15+s21+$0x0], $0xffff  }
0x40d: {  	[tilespmem:s28+$0xFFFFFF30] =	vst v4;
	v4 =	vld.idx.msk [tilespmem:v16+s21+$0x0], $0xffff  }
0x40e: {  	[tilespmem:s28+$0xFFFFFF40] =	vst v0;
	v0 =	vld.idx.msk [tilespmem:v17+s21+$0x0], $0xffff  }
0x40f: {  	[tilespmem:s28+$0xFFFFFF50] =	vst v5;
	v5 =	vld.idx.msk [tilespmem:v18+s21+$0x0], $0xffff  }
0x410: {  	[tilespmem:s28+$0xFFFFFF60] =	vst v1;
	v1 =	vld.idx.msk [tilespmem:v19+s21+$0x0], $0xffff  }
0x411: {  	[tilespmem:s28+$0xFFFFFF70] =	vst v2;
	v2 =	vld.idx.msk [tilespmem:v20+s21+$0x0], $0xffff  }
0x412: {  	[tilespmem:s28+$0x0] =	vst v3;
	v3 =	vld.idx.msk [tilespmem:v21+s21+$0x0], $0xffff  }
0x413: {  	[tilespmem:s28+$0x10] =	vst v4;
	v4 =	vld.idx.msk [tilespmem:v22+s21+$0x0], $0xffff  }
0x414: {  	[tilespmem:s28+$0x20] =	vst v0;
	v6 =	vld.idx.msk [tilespmem:v23+s21+$0x0], $0xffff  }
0x415: {  	[tilespmem:s28+$0x30] =	vst v5;
	v0 =	vld.idx.msk [tilespmem:v24+s21+$0x0], $0xffff  }
.Ltmp21:
0x416: {  	[tilespmem:s28+$0x40] =	vst v1;
	v1 =	vld.idx.msk [tilespmem:v25+s21+$0x0], $0xffff;
	(pc) =	sbr.rel @p0 .LBB2_32-.Ltmp21, $4  }
0x417: {  	[tilespmem:s28+$0x50] =	vst v2;
	v2 =	vld.idx.msk [tilespmem:v26+s21+$0x0], $0xffff  }
0x418: {  	[tilespmem:s28+$0x60] =	vst v3;
	v3 =	vld.idx.msk [tilespmem:v27+s21+$0x0], $0xffff  }
0x419: {  	[tilespmem:s28+$0x70] =	vst v4;
	v4 =	vld.idx.msk [tilespmem:v28+s21+$0x0], $0xffff  }
0x41a: {  	s30 =	sadd.s32 $0x200, s30;
	[tilespmem:s28+$0x100] =	vst v6;
	v5 =	vld.idx.msk [tilespmem:v29+s21+$0x0], $0xffff  }
0x41b: {  	[tilespmem:s28+$0x110] =	vst v0  }
0x41c: {  	[tilespmem:s28+$0x120] =	vst v1  }
0x41d: {  	[tilespmem:s28+$0x130] =	vst v2  }
0x41e: {  	[tilespmem:s28+$0x140] =	vst v3  }
0x41f: {  	s29 =	sadd.s32 s26, s15;
	s30 =	simm.s32 $0x1C700;
	[tilespmem:s28+$0x150] =	vst v4  }
0x420: {  	s31 =	simm.s32 $0x1C800;
	s0 =	sadd.s32 $0x0, s29;
	[tilespmem:s28+$0x160] =	vst v5;
	s28 =	simm.s32 $0x80  }
.LBB2_34:
0x421: {  	[hbm4b:s0+s6] =	stream.linear.scatter [tilespmem:s30], [sflag:$0x2], $0x80, $0x38;
	[tilespmem:$0x1E700] =	vst v63  }
0x422: {  	s0 =	smov.u32 s28;
	s30 =	smov.u32 s31;
	p0 =	sne.s32 s28, $0xF80  }
.Ltmp22:
0x423: {  	s28 =	sadd.s32 $0x80, s28;
	(pc) =	sbr.rel @p0 .LBB2_34-.Ltmp22, $2  }
0x424: {  	_ =	sdelay $0x2  }
0x425: {  	s31 =	sadd.s32 $0x100, s31;
	s0 =	sadd.s32 s0, s29  }
0x426: {  	[hbm4b:s0+s6] =	stream.linear.scatter [tilespmem:s30], [sflag:$0x2], $0x80, $0x38;
	[tilespmem:$0x1E700] =	vst v63  }
0x427: {  	_ =	swait.ge [sflag:s23], $0x1000  }
0x428: {  	[sflag:s23] =	ssyncset.done $0x0  }
0x429: {  	s31 =	simm.s32 $0x31F0;
	[sflag:s23] =	ssyncadd.s32 $0xFFFFF000  }
0x42a: {  	v0 =	vld [tilespmem:s31+$0x0]  }
0x42b: {  	v1 =	vld [tilespmem:s31+$0xFFFFFE20]  }
0x42c: {  	v2 =	vld [tilespmem:s31+$0xFFFFFE30]  }
0x42d: {  	v3 =	vld [tilespmem:s31+$0xFFFFFE40]  }
0x42e: {  	v4 =	vld [tilespmem:s31+$0xFFFFFE50]  }
0x42f: {  	v5 =	vld [tilespmem:s31+$0xFFFFFE60]  }
0x430: {  	v6 =	vld [tilespmem:s31+$0xFFFFFE70]  }
0x431: {  	v7 =	vld [tilespmem:s31+$0xFFFFFE80]  }
0x432: {  	v8 =	vld [tilespmem:s31+$0xFFFFFE90]  }
0x433: {  	v9 =	vld [tilespmem:s31+$0xFFFFFEA0]  }
0x434: {  	v10 =	vld [tilespmem:s31+$0xFFFFFEB0]  }
0x435: {  	v11 =	vld [tilespmem:s31+$0xFFFFFEC0]  }
0x436: {  	v12 =	vld [tilespmem:s31+$0xFFFFFED0]  }
0x437: {  	v13 =	vld [tilespmem:s31+$0xFFFFFEE0]  }
0x438: {  	v14 =	vld [tilespmem:s31+$0xFFFFFEF0]  }
0x439: {  	v15 =	vld [tilespmem:s31+$0xFFFFFF00]  }
0x43a: {  	v16 =	vld [tilespmem:s31+$0xFFFFFF10]  }
0x43b: {  	v17 =	vld [tilespmem:s31+$0xFFFFFF20]  }
0x43c: {  	v18 =	vld [tilespmem:s31+$0xFFFFFF30]  }
0x43d: {  	v19 =	vld [tilespmem:s31+$0xFFFFFF40]  }
0x43e: {  	v20 =	vld [tilespmem:s31+$0xFFFFFF50]  }
0x43f: {  	v21 =	vld [tilespmem:s31+$0xFFFFFF60]  }
0x440: {  	v22 =	vld [tilespmem:s31+$0xFFFFFF70]  }
0x441: {  	v23 =	vld [tilespmem:s31+$0xFFFFFF80]  }
0x442: {  	v24 =	vld [tilespmem:s31+$0xFFFFFF90]  }
0x443: {  	v25 =	vld [tilespmem:s31+$0xFFFFFFA0]  }
0x444: {  	v26 =	vld [tilespmem:s31+$0xFFFFFFB0]  }
0x445: {  	v27 =	vld [tilespmem:s31+$0xFFFFFFC0]  }
0x446: {  	v28 =	vld [tilespmem:s31+$0xFFFFFFD0]  }
0x447: {  	v29 =	vld [tilespmem:s31+$0xFFFFFFE0]  }
0x448: {  	v30 =	vld [tilespmem:s31+$0xFFFFFFF0]  }
0x449: {  	v31 =	vld [tilespmem:s31+$0xFFFFFE10]  }
0x44a: {  	v0 =	vld.idx.msk [tilespmem:v0+s21+$0x0], $0xffff  }
0x44b: {  	v1 =	vld.idx.msk [tilespmem:v1+s21+$0x0], $0xffff  }
0x44c: {  	v2 =	vld.idx.msk [tilespmem:v2+s21+$0x0], $0xffff  }
0x44d: {  	v3 =	vld.idx.msk [tilespmem:v3+s21+$0x0], $0xffff  }
0x44e: {  	v4 =	vld.idx.msk [tilespmem:v4+s21+$0x0], $0xffff  }
0x44f: {  	s28 =	simm.s32 $0x1C980;
	v5 =	vld.idx.msk [tilespmem:v5+s21+$0x0], $0xffff  }
0x450: {  	[tilespmem:s28+$0x170] =	vst v0;
	v0 =	vld.idx.msk [tilespmem:v6+s21+$0x0], $0xffff  }
0x451: {  	[tilespmem:s28+$0xFFFFFE10] =	vst v1;
	v1 =	vld.idx.msk [tilespmem:v7+s21+$0x0], $0xffff  }
0x452: {  	v6 =	vld.idx.msk [tilespmem:v31+s21+$0x0], $0xffff;
	[tilespmem:s28+$0xFFFFFE20] =	vst v2  }
0x453: {  	[tilespmem:s28+$0xFFFFFE30] =	vst v3;
	v2 =	vld.idx.msk [tilespmem:v8+s21+$0x0], $0xffff  }
0x454: {  	[tilespmem:s28+$0xFFFFFE40] =	vst v4;
	v3 =	vld.idx.msk [tilespmem:v9+s21+$0x0], $0xffff  }
0x455: {  	[tilespmem:s28+$0xFFFFFE50] =	vst v5;
	v4 =	vld.idx.msk [tilespmem:v10+s21+$0x0], $0xffff  }
0x456: {  	v5 =	vld.idx.msk [tilespmem:v13+s21+$0x0], $0xffff;
	[tilespmem:s28+$0xFFFFFE60] =	vst v0  }
0x457: {  	v7 =	vld.idx.msk [tilespmem:v24+s21+$0x0], $0xffff;
	[tilespmem:s28+$0xFFFFFE70] =	vst v1  }
0x458: {  	v0 =	vld.idx.msk [tilespmem:v11+s21+$0x0], $0xffff;
	[tilespmem:s28+$0xFFFFFE00] =	vst v6  }
0x459: {  	v1 =	vld.idx.msk [tilespmem:v12+s21+$0x0], $0xffff;
	[tilespmem:s28+$0xFFFFFF00] =	vst v2  }
0x45a: {  	v2 =	vld.idx.msk [tilespmem:v14+s21+$0x0], $0xffff;
	[tilespmem:s28+$0xFFFFFF10] =	vst v3  }
0x45b: {  	v3 =	vld.idx.msk [tilespmem:v15+s21+$0x0], $0xffff;
	[tilespmem:s28+$0xFFFFFF20] =	vst v4  }
0x45c: {  	v4 =	vld.idx.msk [tilespmem:v16+s21+$0x0], $0xffff;
	[tilespmem:s28+$0xFFFFFF50] =	vst v5  }
0x45d: {  	v5 =	vld.idx.msk [tilespmem:v19+s21+$0x0], $0xffff;
	[tilespmem:s28+$0x100] =	vst v7  }
0x45e: {  	v6 =	vld.idx.msk [tilespmem:v23+s21+$0x0], $0xffff;
	[tilespmem:s28+$0xFFFFFF30] =	vst v0  }
0x45f: {  	v0 =	vld.idx.msk [tilespmem:v17+s21+$0x0], $0xffff;
	[tilespmem:s28+$0xFFFFFF40] =	vst v1  }
0x460: {  	v1 =	vld.idx.msk [tilespmem:v18+s21+$0x0], $0xffff;
	[tilespmem:s28+$0xFFFFFF60] =	vst v2  }
0x461: {  	v2 =	vld.idx.msk [tilespmem:v20+s21+$0x0], $0xffff;
	[tilespmem:s28+$0xFFFFFF70] =	vst v3  }
0x462: {  	v3 =	vld.idx.msk [tilespmem:v21+s21+$0x0], $0xffff;
	[tilespmem:s28+$0x0] =	vst v4  }
0x463: {  	v4 =	vld.idx.msk [tilespmem:v22+s21+$0x0], $0xffff;
	[tilespmem:s28+$0x30] =	vst v5  }
0x464: {  	[tilespmem:s28+$0x70] =	vst v6;
	v5 =	vld.idx.msk [tilespmem:v30+s21+$0x0], $0xffff  }
0x465: {  	[tilespmem:s28+$0x10] =	vst v0;
	v0 =	vld.idx.msk [tilespmem:v25+s21+$0x0], $0xffff  }
0x466: {  	[tilespmem:s28+$0x20] =	vst v1;
	v1 =	vld.idx.msk [tilespmem:v26+s21+$0x0], $0xffff  }
0x467: {  	[tilespmem:s28+$0x40] =	vst v2;
	v2 =	vld.idx.msk [tilespmem:v27+s21+$0x0], $0xffff  }
0x468: {  	[tilespmem:s28+$0x50] =	vst v3;
	v3 =	vld.idx.msk [tilespmem:v28+s21+$0x0], $0xffff  }
0x469: {  	s29 =	simm.s32 $0x0;
	s30 =	simm.s32 $0x33F0;
	[tilespmem:s28+$0x60] =	vst v4;
	v4 =	vld.idx.msk [tilespmem:v29+s21+$0x0], $0xffff  }
.LBB2_36:
0x46a: {  	v6 =	vld [tilespmem:s30+$0x0];
	s29 =	sadd.s32 $0x20, s29;
	[tilespmem:s28+$0x110] =	vst v0  }
0x46b: {  	v0 =	vld [tilespmem:s30+$0xFFFFFE20];
	p0 =	slt.u32 s29, $0xE0;
	[tilespmem:s28+$0x120] =	vst v1  }
0x46c: {  	v1 =	vld [tilespmem:s30+$0xFFFFFE30];
	[tilespmem:s28+$0x130] =	vst v2  }
0x46d: {  	v2 =	vld [tilespmem:s30+$0xFFFFFE40];
	[tilespmem:s28+$0x140] =	vst v3  }
0x46e: {  	v3 =	vld [tilespmem:s30+$0xFFFFFE50];
	[tilespmem:s28+$0x150] =	vst v4  }
0x46f: {  	v4 =	vld [tilespmem:s30+$0xFFFFFE60];
	[tilespmem:s28+$0x160] =	vst v5  }
0x470: {  	v5 =	vld [tilespmem:s30+$0xFFFFFE70]  }
0x471: {  	v7 =	vld [tilespmem:s30+$0xFFFFFE80]  }
0x472: {  	v6 =	vld.idx.msk [tilespmem:v6+s21+$0x0], $0xffff  }
0x473: {  	v8 =	vld [tilespmem:s30+$0xFFFFFE90]  }
0x474: {  	v9 =	vld [tilespmem:s30+$0xFFFFFEA0]  }
0x475: {  	v10 =	vld [tilespmem:s30+$0xFFFFFEB0]  }
0x476: {  	v11 =	vld [tilespmem:s30+$0xFFFFFEC0]  }
0x477: {  	s28 =	sadd.s32 $0x400, s28;
	v12 =	vld [tilespmem:s30+$0xFFFFFED0]  }
0x478: {  	v13 =	vld [tilespmem:s30+$0xFFFFFEE0];
	[tilespmem:s28+$0x170] =	vst v6  }
0x479: {  	v6 =	vld [tilespmem:s30+$0xFFFFFEF0]  }
0x47a: {  	v14 =	vld [tilespmem:s30+$0xFFFFFF00]  }
0x47b: {  	v15 =	vld [tilespmem:s30+$0xFFFFFF10]  }
0x47c: {  	v16 =	vld [tilespmem:s30+$0xFFFFFF20]  }
0x47d: {  	v17 =	vld [tilespmem:s30+$0xFFFFFF30]  }
0x47e: {  	v18 =	vld [tilespmem:s30+$0xFFFFFF40]  }
0x47f: {  	v19 =	vld [tilespmem:s30+$0xFFFFFF50]  }
0x480: {  	v20 =	vld [tilespmem:s30+$0xFFFFFF60]  }
0x481: {  	v21 =	vld [tilespmem:s30+$0xFFFFFF70]  }
0x482: {  	v22 =	vld [tilespmem:s30+$0xFFFFFF80]  }
0x483: {  	v23 =	vld [tilespmem:s30+$0xFFFFFF90]  }
0x484: {  	v24 =	vld [tilespmem:s30+$0xFFFFFFA0]  }
0x485: {  	v25 =	vld [tilespmem:s30+$0xFFFFFFB0]  }
0x486: {  	v26 =	vld [tilespmem:s30+$0xFFFFFFC0]  }
0x487: {  	v27 =	vld [tilespmem:s30+$0xFFFFFFD0]  }
0x488: {  	v28 =	vld [tilespmem:s30+$0xFFFFFFE0]  }
0x489: {  	v29 =	vld [tilespmem:s30+$0xFFFFFFF0]  }
0x48a: {  	v30 =	vld [tilespmem:s30+$0xFFFFFE10]  }
0x48b: {  	v0 =	vld.idx.msk [tilespmem:v0+s21+$0x0], $0xffff  }
0x48c: {  	v1 =	vld.idx.msk [tilespmem:v1+s21+$0x0], $0xffff  }
0x48d: {  	v2 =	vld.idx.msk [tilespmem:v2+s21+$0x0], $0xffff  }
0x48e: {  	v3 =	vld.idx.msk [tilespmem:v3+s21+$0x0], $0xffff  }
0x48f: {  	v4 =	vld.idx.msk [tilespmem:v4+s21+$0x0], $0xffff  }
0x490: {  	v5 =	vld.idx.msk [tilespmem:v5+s21+$0x0], $0xffff  }
0x491: {  	[tilespmem:s28+$0xFFFFFE10] =	vst v0;
	v0 =	vld.idx.msk [tilespmem:v7+s21+$0x0], $0xffff  }
0x492: {  	v7 =	vld.idx.msk [tilespmem:v30+s21+$0x0], $0xffff;
	[tilespmem:s28+$0xFFFFFE20] =	vst v1  }
0x493: {  	[tilespmem:s28+$0xFFFFFE30] =	vst v2;
	v1 =	vld.idx.msk [tilespmem:v8+s21+$0x0], $0xffff  }
0x494: {  	[tilespmem:s28+$0xFFFFFE40] =	vst v3;
	v2 =	vld.idx.msk [tilespmem:v9+s21+$0x0], $0xffff  }
0x495: {  	[tilespmem:s28+$0xFFFFFE50] =	vst v4;
	v3 =	vld.idx.msk [tilespmem:v10+s21+$0x0], $0xffff  }
0x496: {  	[tilespmem:s28+$0xFFFFFE60] =	vst v5;
	v4 =	vld.idx.msk [tilespmem:v11+s21+$0x0], $0xffff  }
0x497: {  	[tilespmem:s28+$0xFFFFFE70] =	vst v0;
	v0 =	vld.idx.msk [tilespmem:v12+s21+$0x0], $0xffff  }
0x498: {  	[tilespmem:s28+$0xFFFFFE00] =	vst v7;
	v5 =	vld.idx.msk [tilespmem:v13+s21+$0x0], $0xffff  }
0x499: {  	[tilespmem:s28+$0xFFFFFF00] =	vst v1;
	v1 =	vld.idx.msk [tilespmem:v6+s21+$0x0], $0xffff  }
0x49a: {  	[tilespmem:s28+$0xFFFFFF10] =	vst v2;
	v2 =	vld.idx.msk [tilespmem:v14+s21+$0x0], $0xffff  }
0x49b: {  	[tilespmem:s28+$0xFFFFFF20] =	vst v3;
	v3 =	vld.idx.msk [tilespmem:v15+s21+$0x0], $0xffff  }
0x49c: {  	[tilespmem:s28+$0xFFFFFF30] =	vst v4;
	v4 =	vld.idx.msk [tilespmem:v16+s21+$0x0], $0xffff  }
0x49d: {  	[tilespmem:s28+$0xFFFFFF40] =	vst v0;
	v0 =	vld.idx.msk [tilespmem:v17+s21+$0x0], $0xffff  }
0x49e: {  	[tilespmem:s28+$0xFFFFFF50] =	vst v5;
	v5 =	vld.idx.msk [tilespmem:v18+s21+$0x0], $0xffff  }
0x49f: {  	[tilespmem:s28+$0xFFFFFF60] =	vst v1;
	v1 =	vld.idx.msk [tilespmem:v19+s21+$0x0], $0xffff  }
0x4a0: {  	[tilespmem:s28+$0xFFFFFF70] =	vst v2;
	v2 =	vld.idx.msk [tilespmem:v20+s21+$0x0], $0xffff  }
0x4a1: {  	[tilespmem:s28+$0x0] =	vst v3;
	v3 =	vld.idx.msk [tilespmem:v21+s21+$0x0], $0xffff  }
0x4a2: {  	[tilespmem:s28+$0x10] =	vst v4;
	v4 =	vld.idx.msk [tilespmem:v22+s21+$0x0], $0xffff  }
0x4a3: {  	[tilespmem:s28+$0x20] =	vst v0;
	v6 =	vld.idx.msk [tilespmem:v23+s21+$0x0], $0xffff  }
0x4a4: {  	[tilespmem:s28+$0x30] =	vst v5;
	v0 =	vld.idx.msk [tilespmem:v24+s21+$0x0], $0xffff  }
.Ltmp23:
0x4a5: {  	[tilespmem:s28+$0x40] =	vst v1;
	v1 =	vld.idx.msk [tilespmem:v25+s21+$0x0], $0xffff;
	(pc) =	sbr.rel @p0 .LBB2_36-.Ltmp23, $4  }
0x4a6: {  	[tilespmem:s28+$0x50] =	vst v2;
	v2 =	vld.idx.msk [tilespmem:v26+s21+$0x0], $0xffff  }
0x4a7: {  	[tilespmem:s28+$0x60] =	vst v3;
	v3 =	vld.idx.msk [tilespmem:v27+s21+$0x0], $0xffff  }
0x4a8: {  	[tilespmem:s28+$0x70] =	vst v4;
	v4 =	vld.idx.msk [tilespmem:v28+s21+$0x0], $0xffff  }
0x4a9: {  	s30 =	sadd.s32 $0x200, s30;
	[tilespmem:s28+$0x100] =	vst v6;
	v5 =	vld.idx.msk [tilespmem:v29+s21+$0x0], $0xffff  }
0x4aa: {  	[tilespmem:s28+$0x110] =	vst v0  }
0x4ab: {  	[tilespmem:s28+$0x120] =	vst v1  }
0x4ac: {  	[tilespmem:s28+$0x130] =	vst v2  }
0x4ad: {  	[tilespmem:s28+$0x140] =	vst v3  }
0x4ae: {  	s26 =	sadd.s32 s26, s16;
	s29 =	simm.s32 $0x1C780;
	[tilespmem:s28+$0x150] =	vst v4  }
0x4af: {  	s30 =	simm.s32 $0x1C880;
	s0 =	sadd.s32 $0x0, s26;
	[tilespmem:s28+$0x160] =	vst v5;
	s28 =	simm.s32 $0x80  }
.LBB2_38:
0x4b0: {  	[hbm4b:s0+s6] =	stream.linear.scatter [tilespmem:s29], [sflag:$0x2], $0x80, $0x38;
	[tilespmem:$0x1E700] =	vst v63  }
0x4b1: {  	s0 =	smov.u32 s28;
	s29 =	smov.u32 s30;
	p0 =	sne.s32 s28, $0xF80  }
.Ltmp24:
0x4b2: {  	s28 =	sadd.s32 $0x80, s28;
	(pc) =	sbr.rel @p0 .LBB2_38-.Ltmp24, $2  }
0x4b3: {  	_ =	sdelay $0x2  }
0x4b4: {  	s30 =	sadd.s32 $0x100, s30;
	s0 =	sadd.s32 s0, s26  }
0x4b5: {  	[hbm4b:s0+s6] =	stream.linear.scatter [tilespmem:s29], [sflag:$0x2], $0x80, $0x38;
	[tilespmem:$0x1E700] =	vst v63  }
0x4b6: {  	_ =	swait.ge [sflag:s23], $0x1000  }
.Ltmp25:
0x4b7: {  	[sflag:s23] =	ssyncset.done $0x0;
	(pc) =	sbr.rel .LBB2_40-.Ltmp25, $4  }
0x4b8: {  	[sflag:s23] =	ssyncadd.s32 $0xFFFFF000  }
0x4b9: {  	_ =	swait.ge [sflag:s23], $0x1000  }
0x4ba: {  	[sflag:s23] =	ssyncset.done $0x0  }
0x4bb: {  	[sflag:s23] =	ssyncadd.s32 $0xFFFFF000  }
.LBB2_42:
0x4bc: {  	_ =	sfence.sel $0x180000  }
0x4bd: {  	[bflag:$0x0] =	sbarrier.arrive $0xFFFF  }
0x4be: {  	_ =	strace $0x90000047  }
0x4bf: {  	[bflag:$0x2] =	sbarrier.arrive $0xFFFF  }
0x4c0: {  	p0 =	sne.s32 s5, $0x0;
	s0 =	rddreg [dreg:$0x5]  }
0x4c1: {  	s0 =	sadd.s32 @!p0 $0x100000, s0  }
0x4c2: {  	[sflag:s0] =	ssyncadd.tile.s32 @!p0 $0x1;
	_ =	shalt  }
.Lfunc_end2:
_tile_overlayer_lowered:
.L_overlay_start_2:
0x4c3: {  	(tag) =	ssettag $0x2  }
0x4c4: {  	s0 =	rddreg [dreg:$0x0];
	s2 =	stileid.u32  }
0x4c5: {  	s1 =	rddreg [dreg:$0x1];
	p0 =	sne.s32 s2, $0x0  }
0x4c6: {  	s3 =	rddreg [dreg:$0x2];
	[bflag:$0x3] =	sbarrier.arrive $0xFFFF;
	s2 =	simm.s32 @!p0 $0x1C03  }
0x4c7: {  	[timem:s3], [sflag:s2] =	dma.local @!p0 [hbm:s0], s1  }
0x4c8: {  	s0 =	simm.s32 @!p0 $0x3  }
0x4c9: {  	_ =	swait.ge @!p0 [sflag:s0], s1  }
0x4ca: {  	s1 =	ssub.s32 @!p0 $0x0, s1;
	[sflag:s0] =	ssyncset.done @!p0 $0x0  }
0x4cb: {  	[sflag:s0] =	ssyncadd.s32 @!p0 s1  }
0x4cc: {  	[bflag:$0x3] =	sbarrier.arrive $0xFFFF  }
0x4cd: {  	_ =	shalt  }

</sc_bundles>
